<compile_context>
chip_gen: v7x
topology: tpu7x:2x2x1
jax: 0.10.2.dev20260603
libtpu: 0.0.44.dev20260713+nightly
codegen_flags: <defaults>
</compile_context>

<pallas_src>
import functools

import jax
import jax.numpy as jnp
from jax import lax
from jax.experimental import pallas as pl
from jax.experimental.pallas import tpu as pltpu
from jax.experimental.pallas import tpu_sc as plsc

N = 14
NEG_SLOPE = 0.2
NC, NS = 2, 16
NW = NC * NS


def _sc_counts(src, dst):
    B, E = src.shape
    GW = B // NW
    GC = 8
    n_chunks = GW // GC

    mesh = plsc.VectorSubcoreMesh(core_axis_name="c", subcore_axis_name="s")

    @functools.partial(
        pl.kernel,
        out_type=jax.ShapeDtypeStruct((B, 256), jnp.float32),
        mesh=mesh,
        compiler_params=pltpu.CompilerParams(needs_layout_passes=False),
        scratch_types=[
            pltpu.VMEM((GC, E), jnp.int32),
            pltpu.VMEM((GC, E), jnp.int32),
            pltpu.VMEM((GC * 256,), jnp.float32),
            pltpu.SemaphoreType.DMA,
            pltpu.SemaphoreType.DMA,
            pltpu.SemaphoreType.DMA,
        ],
    )
    def counts_kernel(src_hbm, dst_hbm, out_hbm, src_v, dst_v, hist_v,
                      sem_s, sem_d, sem_out):
        wid = lax.axis_index("s") * NC + lax.axis_index("c")
        base = wid * GW
        zeros16 = jnp.zeros((16,), jnp.float32)
        ones16 = jnp.ones((16,), jnp.float32)

        def chunk_body(ci, carry):
            g0 = base + ci * GC
            cs = pltpu.async_copy(src_hbm.at[pl.ds(g0, GC)], src_v, sem_s)
            cd = pltpu.async_copy(dst_hbm.at[pl.ds(g0, GC)], dst_v, sem_d)
            for k in range(GC * 16):
                hist_v[pl.ds(k * 16, 16)] = zeros16
            cs.wait()
            cd.wait()
            for g in range(GC):
                for c in range(E // 16):
                    s = src_v[g, pl.ds(c * 16, 16)]
                    d = dst_v[g, pl.ds(c * 16, 16)]
                    plsc.addupdate_scatter(
                        hist_v, [g * 256 + s * 16 + d], ones16, mask=s != d
                    )
            for g in range(GC):
                pltpu.async_copy(
                    hist_v.at[pl.ds(g * 256, 256)], out_hbm.at[g0 + g], sem_out
                ).wait()
            return carry

        lax.fori_loop(0, n_chunks, chunk_body, 0)

    return counts_kernel(src, dst)


def _tc_body(
    feat_ref, m_ref, w1_ref, a1_ref, b1_ref, w2_ref, a2_ref, b2_ref,
    wl_ref, bl_ref, wp_ref, bp_ref, pred_ref, a_ref,
):
    bB = feat_ref.shape[0]
    F = feat_ref.shape[2]
    hi = lax.Precision.HIGHEST

    rows = lax.broadcasted_iota(jnp.int32, (16, 16), 0)
    cols = lax.broadcasted_iota(jnp.int32, (16, 16), 1)
    eye = jnp.where((rows == cols) & (rows < N), 1.0, 0.0).astype(jnp.float32)
    M = m_ref[...].reshape(bB, 16, 16) + eye[None, :, :]
    Mv = M[:, :N, :N]
    posv = Mv > 0.0

    def gat_layer(xin, w_ref, a_ref_, b_ref_):
        h = jnp.dot(xin, w_ref[...], preferred_element_type=jnp.float32,
                    precision=hi)
        av = jnp.dot(h, a_ref_[...], preferred_element_type=jnp.float32,
                     precision=hi)
        als = av[:, 0].reshape(bB, N, 1)
        ald = av[:, 1].reshape(bB, 1, N)
        L = als + ald
        L = jnp.where(L >= 0.0, L, NEG_SLOPE * L)
        m = jnp.max(jnp.where(posv, L, -1e30), axis=1, keepdims=True)
        e = jnp.exp(jnp.minimum(L - m, 0.0))
        w = Mv * e
        denom = jnp.maximum(jnp.sum(w, axis=1, keepdims=True), 1e-30)
        P = w / denom
        alpha = jnp.where(posv, e / denom, 0.0)
        h3 = h.reshape(bB, N, F)
        out = lax.dot_general(
            P, h3, (((1,), (1,)), ((0,), (0,))),
            preferred_element_type=jnp.float32, precision=hi,
        )
        out = out.reshape(bB * N, F) + b_ref_[...]
        return out, alpha

    x = feat_ref[...].reshape(bB * N, F)
    o1, _ = gat_layer(x, w1_ref, a1_ref, b1_ref)
    x1 = jnp.maximum(o1, 0.0)
    o2, alpha2 = gat_layer(x1, w2_ref, a2_ref, b2_ref)
    a_ref[...] = alpha2
    v = o2.reshape(bB, N * F)
    hid = jnp.dot(v, wl_ref[...], preferred_element_type=jnp.float32,
                  precision=hi) + bl_ref[...]
    z = jnp.dot(hid, wp_ref[...], preferred_element_type=jnp.float32,
                precision=hi) + bp_ref[...]
    pred_ref[...] = 1.0 / (1.0 + jnp.exp(-z))


def _tc_forward(feature, M256, W1, a1p, b1, W2, a2p, b2, Wl, bl, Wp, bp,
                interpret=False):
    B, _, F = feature.shape
    bB = 128
    grid = (B // bB,)

    def blk(i):
        return (i, 0, 0)

    def blk2(i):
        return (i, 0)

    def full2(i):
        return (0, 0)

    out_shapes = (
        jax.ShapeDtypeStruct((B, 1), jnp.float32),
        jax.ShapeDtypeStruct((B, N, N), jnp.float32),
    )
    return pl.pallas_call(
        _tc_body,
        grid=grid,
        in_specs=[
            pl.BlockSpec((bB, N, F), blk),
            pl.BlockSpec((bB, 256), blk2),
            pl.BlockSpec(W1.shape, full2),
            pl.BlockSpec(a1p.shape, full2),
            pl.BlockSpec(b1.shape, full2),
            pl.BlockSpec(W2.shape, full2),
            pl.BlockSpec(a2p.shape, full2),
            pl.BlockSpec(b2.shape, full2),
            pl.BlockSpec(Wl.shape, full2),
            pl.BlockSpec(bl.shape, full2),
            pl.BlockSpec(Wp.shape, full2),
            pl.BlockSpec(bp.shape, full2),
        ],
        out_specs=(
            pl.BlockSpec((bB, 1), blk2),
            pl.BlockSpec((bB, N, N), blk),
        ),
        out_shape=out_shapes,
        interpret=interpret,
    )(feature, M256, W1, a1p, b1, W2, a2p, b2, Wl, bl, Wp, bp)


def kernel(feature, edge_list, W1, as1, ad1, b1, W2, as2, ad2, b2, Wl, bl, Wp, bp):
    B, _, _ = feature.shape
    src = edge_list[:, :, 0]
    dst = edge_list[:, :, 1]
    M256 = _sc_counts(src, dst)
    a1p = jnp.stack([as1, ad1], axis=1)
    a2p = jnp.stack([as2, ad2], axis=1)
    return _tc_forward(
        feature, M256, W1, a1p, b1.reshape(1, -1), W2, a2p, b2.reshape(1, -1),
        Wl, bl.reshape(1, -1), Wp, bp.reshape(1, -1),
    )

# --- scband reference (transcript-rebuilt; emitter-appended) ---
"""Pipeline reference for scband-gat-49495203119724 (READ-ONLY COPY).

The authoritative reference and input builder live on the scoring server;
editing this copy changes nothing except your own understanding.
"""

import jax, jax.numpy as jnp
import numpy as np

N_NODES = 14
NEG_SLOPE = 0.2

def _gat_conv(x, src, dst, mask, W, a_src, a_dst, b):
    h = x @ W
    als = h @ a_src
    ald = h @ a_dst
    logits = als[src] + ald[dst]
    logits = jnp.where(logits >= 0.0, logits, NEG_SLOPE * logits)
    logits = jnp.where(mask, logits, -jnp.inf)
    m = jax.ops.segment_max(logits, dst, num_segments=N_NODES)
    m = jnp.where(jnp.isfinite(m), m, 0.0)
    e = jnp.where(mask, jnp.exp(logits - m[dst]), 0.0)
    denom = jax.ops.segment_sum(e, dst, num_segments=N_NODES)
    alpha = e / jnp.maximum(denom[dst], 1e-16)
    out = jax.ops.segment_sum(alpha[:, None] * h[src], dst, num_segments=N_NODES)
    return out + b, alpha

def _graph_fwd(feat, edges, params):
    W1, as1, ad1, b1, W2, as2, ad2, b2, Wl, bl, Wp, bp = params
    src0 = edges[:, 0]
    dst0 = edges[:, 1]
    loops = jnp.arange(N_NODES, dtype=edges.dtype)
    src = jnp.concatenate([src0, loops])
    dst = jnp.concatenate([dst0, loops])
    mask = jnp.concatenate([src0 != dst0, jnp.ones((N_NODES,), dtype=bool)])
    x, _ = _gat_conv(feat, src, dst, mask, W1, as1, ad1, b1)
    x = jax.nn.relu(x)
    x2, alpha = _gat_conv(x, src, dst, mask, W2, as2, ad2, b2)
    E0 = src0.shape[0]
    A = jnp.zeros((N_NODES, N_NODES), dtype=jnp.float32)
    A = A.at[src0, dst0].set(jnp.where(mask[:E0], alpha[:E0], 0.0))
    A = A.at[loops, loops].set(alpha[E0:])
    v = x2.reshape(-1)
    hid = v @ Wl + bl
    pred = jax.nn.sigmoid(hid @ Wp + bp)
    return pred, A

def _forward(feature, edge_list, params):
    return jax.vmap(lambda ft, ed: _graph_fwd(ft, ed, params))(feature, edge_list)

def setup_inputs(seed: int = 0):
    key = jax.random.key(seed)
    ks = jax.random.split(key, 16)
    B, E, F, H = 4096, 64, 128, 128
    s = 0.05
    inp = {}
    inp["feature"] = jax.random.normal(ks[0], (B, N_NODES, F), dtype=jnp.float32)
    inp["edge_list"] = jax.random.randint(ks[1], (B, E, 2), 0, N_NODES, dtype=jnp.int32)
    inp["W1"] = jax.random.normal(ks[2], (F, H), dtype=jnp.float32) * s
    inp["as1"] = jax.random.normal(ks[3], (H,), dtype=jnp.float32) * s
    inp["ad1"] = jax.random.normal(ks[4], (H,), dtype=jnp.float32) * s
    inp["b1"] = jnp.zeros((H,), dtype=jnp.float32)
    inp["W2"] = jax.random.normal(ks[5], (H, H), dtype=jnp.float32) * s
    inp["as2"] = jax.random.normal(ks[6], (H,), dtype=jnp.float32) * s
    inp["ad2"] = jax.random.normal(ks[7], (H,), dtype=jnp.float32) * s
    inp["b2"] = jnp.zeros((H,), dtype=jnp.float32)
    inp["Wl"] = jax.random.normal(ks[8], (H * N_NODES, H // 2), dtype=jnp.float32) * s
    inp["bl"] = jnp.zeros((H // 2,), dtype=jnp.float32)
    inp["Wp"] = jax.random.normal(ks[9], (H // 2, 1), dtype=jnp.float32) * s
    inp["bp"] = jnp.zeros((1,), dtype=jnp.float32)
    return inp

def reference(feature, edge_list, W1, as1, ad1, b1, W2, as2, ad2, b2, Wl, bl, Wp, bp):
    params = (W1, as1, ad1, b1, W2, as2, ad2, b2, Wl, bl, Wp, bp)
    return _forward(feature, edge_list, params)

if __name__ == "__main__":
    import jax
    _d = setup_inputs()
    print(jax.jit(kernel)(*tuple(_d.values())))

</pallas_src>

<mosaic_0001>
#map = affine_map<(d0, d1) -> (0, 0)>
module attributes {stable_mosaic.version = 14 : i64} {
  func.func @counts_kernel(%arg0: i32, %arg1: i32, %arg2: memref<4096x64xi32, #tpu.memory_space<hbm>>, %arg3: memref<4096x64xi32, #tpu.memory_space<hbm>>, %arg4: memref<4096x256xf32, #tpu.memory_space<hbm>>, %arg5: memref<8x64xi32, #tpu.memory_space<vmem>>, %arg6: memref<8x64xi32, #tpu.memory_space<vmem>>, %arg7: memref<2048xf32, #tpu.memory_space<vmem>>, %arg8: memref<!tpu.dma_semaphore, #tpu.memory_space<semaphore_mem>>, %arg9: memref<!tpu.dma_semaphore, #tpu.memory_space<semaphore_mem>>, %arg10: memref<!tpu.dma_semaphore, #tpu.memory_space<semaphore_mem>>) attributes {dimension_semantics = [#tpu.dimension_semantics<core_parallel>, #tpu.dimension_semantics<subcore_parallel>], iteration_bounds = array<i64: 2, 16>, scalar_prefetch = 0 : i64, scratch_operands = 6 : i64, tpu.core_type = #tpu.core_type<sc_vector_subcore>, window_params = [{transform_indices = #map}, {transform_indices = #map}, {transform_indices = #map}]} {
    %mul3A = arith.constant 2 : i32
    %mul3A_0 = arith.muli %arg1, %mul3A : i32
    %add3A = arith.addi %mul3A_0, %arg0 : i32
    %mul3A_1 = arith.constant 128 : i32
    %mul3A_2 = arith.muli %add3A, %mul3A_1 : i32
    %broadcast_in_dim3A = arith.constant 0.000000e+00 : f32
    %broadcast_in_dim3A_3 = vector.broadcast %broadcast_in_dim3A : f32 to vector<16xf32>
    %broadcast_in_dim3A_4 = arith.constant 1.000000e+00 : f32
    %broadcast_in_dim3A_5 = vector.broadcast %broadcast_in_dim3A_4 : f32 to vector<16xf32>
    %scan3A = arith.constant 0 : i32
    %scan3A_6 = arith.constant 0 : i32
    %scan3A_7 = arith.constant 16 : i32
    %scan3A_8 = arith.addi %scan3A_6, %scan3A_7 : i32
    %scan3A_9 = arith.constant 1 : i32
    scf.for %scan3A_11 = %scan3A_6 to %scan3A_8 step %scan3A_9  : i32 {
      %mul3A_12 = arith.constant 8 : i32
      %mul3A_13 = arith.muli %scan3A_11, %mul3A_12 : i32
      %add3A_14 = arith.addi %mul3A_2, %mul3A_13 : i32
      %dma_start3A = arith.constant 0 : i32
      %dma_start3A_15 = tpu.memref_slice %arg2[%add3A_14, %dma_start3A] : memref<4096x64xi32, #tpu.memory_space<hbm>> -> memref<8x64xi32, #tpu.memory_space<hbm>>
      %dma_start3A_16 = arith.constant 0 : i32
      %dma_start3A_17 = tpu.memref_slice %arg2[%add3A_14, %dma_start3A_16] : memref<4096x64xi32, #tpu.memory_space<hbm>> -> memref<8x64xi32, #tpu.memory_space<hbm>>
      tpu.enqueue_dma source(%dma_start3A_17 : memref<8x64xi32, #tpu.memory_space<hbm>>) target(%arg5 : memref<8x64xi32, #tpu.memory_space<vmem>>) target_semaphore(%arg8 : memref<!tpu.dma_semaphore, #tpu.memory_space<semaphore_mem>>)
      %dma_start3A_18 = arith.constant 0 : i32
      %dma_start3A_19 = tpu.memref_slice %arg3[%add3A_14, %dma_start3A_18] : memref<4096x64xi32, #tpu.memory_space<hbm>> -> memref<8x64xi32, #tpu.memory_space<hbm>>
      %dma_start3A_20 = arith.constant 0 : i32
      %dma_start3A_21 = tpu.memref_slice %arg3[%add3A_14, %dma_start3A_20] : memref<4096x64xi32, #tpu.memory_space<hbm>> -> memref<8x64xi32, #tpu.memory_space<hbm>>
      tpu.enqueue_dma source(%dma_start3A_21 : memref<8x64xi32, #tpu.memory_space<hbm>>) target(%arg6 : memref<8x64xi32, #tpu.memory_space<vmem>>) target_semaphore(%arg9 : memref<!tpu.dma_semaphore, #tpu.memory_space<semaphore_mem>>)
      %swap3A = arith.constant 0 : index
      %swap3A_22 = tpu.vector_load %arg7[%swap3A] {strides = array<i32>} : memref<2048xf32, #tpu.memory_space<vmem>>, vector<16xf32>,
      tpu.vector_store %arg7[%swap3A], %broadcast_in_dim3A_3 {strides = array<i32>} : memref<2048xf32, #tpu.memory_space<vmem>>, vector<16xf32>,
      %swap3A_23 = arith.constant 16 : index
      %swap3A_24 = tpu.vector_load %arg7[%swap3A_23] {strides = array<i32>} : memref<2048xf32, #tpu.memory_space<vmem>>, vector<16xf32>,
      tpu.vector_store %arg7[%swap3A_23], %broadcast_in_dim3A_3 {strides = array<i32>} : memref<2048xf32, #tpu.memory_space<vmem>>, vector<16xf32>,
      %swap3A_25 = arith.constant 32 : index
      %swap3A_26 = tpu.vector_load %arg7[%swap3A_25] {strides = array<i32>} : memref<2048xf32, #tpu.memory_space<vmem>>, vector<16xf32>,
      tpu.vector_store %arg7[%swap3A_25], %broadcast_in_dim3A_3 {strides = array<i32>} : memref<2048xf32, #tpu.memory_space<vmem>>, vector<16xf32>,
      %swap3A_27 = arith.constant 48 : index
      %swap3A_28 = tpu.vector_load %arg7[%swap3A_27] {strides = array<i32>} : memref<2048xf32, #tpu.memory_space<vmem>>, vector<16xf32>,
      tpu.vector_store %arg7[%swap3A_27], %broadcast_in_dim3A_3 {strides = array<i32>} : memref<2048xf32, #tpu.memory_space<vmem>>, vector<16xf32>,
      %swap3A_29 = arith.constant 64 : index
      %swap3A_30 = tpu.vector_load %arg7[%swap3A_29] {strides = array<i32>} : memref<2048xf32, #tpu.memory_space<vmem>>, vector<16xf32>,
      tpu.vector_store %arg7[%swap3A_29], %broadcast_in_dim3A_3 {strides = array<i32>} : memref<2048xf32, #tpu.memory_space<vmem>>, vector<16xf32>,
      %swap3A_31 = arith.constant 80 : index
      %swap3A_32 = tpu.vector_load %arg7[%swap3A_31] {strides = array<i32>} : memref<2048xf32, #tpu.memory_space<vmem>>, vector<16xf32>,
      tpu.vector_store %arg7[%swap3A_31], %broadcast_in_dim3A_3 {strides = array<i32>} : memref<2048xf32, #tpu.memory_space<vmem>>, vector<16xf32>,
      %swap3A_33 = arith.constant 96 : index
      %swap3A_34 = tpu.vector_load %arg7[%swap3A_33] {strides = array<i32>} : memref<2048xf32, #tpu.memory_space<vmem>>, vector<16xf32>,
      tpu.vector_store %arg7[%swap3A_33], %broadcast_in_dim3A_3 {strides = array<i32>} : memref<2048xf32, #tpu.memory_space<vmem>>, vector<16xf32>,
      %swap3A_35 = arith.constant 112 : index
      %swap3A_36 = tpu.vector_load %arg7[%swap3A_35] {strides = array<i32>} : memref<2048xf32, #tpu.memory_space<vmem>>, vector<16xf32>,
      tpu.vector_store %arg7[%swap3A_35], %broadcast_in_dim3A_3 {strides = array<i32>} : memref<2048xf32, #tpu.memory_space<vmem>>, vector<16xf32>,
      %swap3A_37 = arith.constant 128 : index
      %swap3A_38 = tpu.vector_load %arg7[%swap3A_37] {strides = array<i32>} : memref<2048xf32, #tpu.memory_space<vmem>>, vector<16xf32>,
      tpu.vector_store %arg7[%swap3A_37], %broadcast_in_dim3A_3 {strides = array<i32>} : memref<2048xf32, #tpu.memory_space<vmem>>, vector<16xf32>,
      %swap3A_39 = arith.constant 144 : index
      %swap3A_40 = tpu.vector_load %arg7[%swap3A_39] {strides = array<i32>} : memref<2048xf32, #tpu.memory_space<vmem>>, vector<16xf32>,
      tpu.vector_store %arg7[%swap3A_39], %broadcast_in_dim3A_3 {strides = array<i32>} : memref<2048xf32, #tpu.memory_space<vmem>>, vector<16xf32>,
      %swap3A_41 = arith.constant 160 : index
      %swap3A_42 = tpu.vector_load %arg7[%swap3A_41] {strides = array<i32>} : memref<2048xf32, #tpu.memory_space<vmem>>, vector<16xf32>,
      tpu.vector_store %arg7[%swap3A_41], %broadcast_in_dim3A_3 {strides = array<i32>} : memref<2048xf32, #tpu.memory_space<vmem>>, vector<16xf32>,
      %swap3A_43 = arith.constant 176 : index
      %swap3A_44 = tpu.vector_load %arg7[%swap3A_43] {strides = array<i32>} : memref<2048xf32, #tpu.memory_space<vmem>>, vector<16xf32>,
      tpu.vector_store %arg7[%swap3A_43], %broadcast_in_dim3A_3 {strides = array<i32>} : memref<2048xf32, #tpu.memory_space<vmem>>, vector<16xf32>,
      %swap3A_45 = arith.constant 192 : index
      %swap3A_46 = tpu.vector_load %arg7[%swap3A_45] {strides = array<i32>} : memref<2048xf32, #tpu.memory_space<vmem>>, vector<16xf32>,
      tpu.vector_store %arg7[%swap3A_45], %broadcast_in_dim3A_3 {strides = array<i32>} : memref<2048xf32, #tpu.memory_space<vmem>>, vector<16xf32>,
      %swap3A_47 = arith.constant 208 : index
      %swap3A_48 = tpu.vector_load %arg7[%swap3A_47] {strides = array<i32>} : memref<2048xf32, #tpu.memory_space<vmem>>, vector<16xf32>,
      tpu.vector_store %arg7[%swap3A_47], %broadcast_in_dim3A_3 {strides = array<i32>} : memref<2048xf32, #tpu.memory_space<vmem>>, vector<16xf32>,
      %swap3A_49 = arith.constant 224 : index
      %swap3A_50 = tpu.vector_load %arg7[%swap3A_49] {strides = array<i32>} : memref<2048xf32, #tpu.memory_space<vmem>>, vector<16xf32>,
      tpu.vector_store %arg7[%swap3A_49], %broadcast_in_dim3A_3 {strides = array<i32>} : memref<2048xf32, #tpu.memory_space<vmem>>, vector<16xf32>,
      %swap3A_51 = arith.constant 240 : index
      %swap3A_52 = tpu.vector_load %arg7[%swap3A_51] {strides = array<i32>} : memref<2048xf32, #tpu.memory_space<vmem>>, vector<16xf32>,
      tpu.vector_store %arg7[%swap3A_51], %broadcast_in_dim3A_3 {strides = array<i32>} : memref<2048xf32, #tpu.memory_space<vmem>>, vector<16xf32>,
      %swap3A_53 = arith.constant 256 : index
      %swap3A_54 = tpu.vector_load %arg7[%swap3A_53] {strides = array<i32>} : memref<2048xf32, #tpu.memory_space<vmem>>, vector<16xf32>,
      tpu.vector_store %arg7[%swap3A_53], %broadcast_in_dim3A_3 {strides = array<i32>} : memref<2048xf32, #tpu.memory_space<vmem>>, vector<16xf32>,
      %swap3A_55 = arith.constant 272 : index
      %swap3A_56 = tpu.vector_load %arg7[%swap3A_55] {strides = array<i32>} : memref<2048xf32, #tpu.memory_space<vmem>>, vector<16xf32>,
      tpu.vector_store %arg7[%swap3A_55], %broadcast_in_dim3A_3 {strides = array<i32>} : memref<2048xf32, #tpu.memory_space<vmem>>, vector<16xf32>,
      %swap3A_57 = arith.constant 288 : index
      %swap3A_58 = tpu.vector_load %arg7[%swap3A_57] {strides = array<i32>} : memref<2048xf32, #tpu.memory_space<vmem>>, vector<16xf32>,
      tpu.vector_store %arg7[%swap3A_57], %broadcast_in_dim3A_3 {strides = array<i32>} : memref<2048xf32, #tpu.memory_space<vmem>>, vector<16xf32>,
      %swap3A_59 = arith.constant 304 : index
      %swap3A_60 = tpu.vector_load %arg7[%swap3A_59] {strides = array<i32>} : memref<2048xf32, #tpu.memory_space<vmem>>, vector<16xf32>,
      tpu.vector_store %arg7[%swap3A_59], %broadcast_in_dim3A_3 {strides = array<i32>} : memref<2048xf32, #tpu.memory_space<vmem>>, vector<16xf32>,
      %swap3A_61 = arith.constant 320 : index
      %swap3A_62 = tpu.vector_load %arg7[%swap3A_61] {strides = array<i32>} : memref<2048xf32, #tpu.memory_space<vmem>>, vector<16xf32>,
      tpu.vector_store %arg7[%swap3A_61], %broadcast_in_dim3A_3 {strides = array<i32>} : memref<2048xf32, #tpu.memory_space<vmem>>, vector<16xf32>,
      %swap3A_63 = arith.constant 336 : index
      %swap3A_64 = tpu.vector_load %arg7[%swap3A_63] {strides = array<i32>} : memref<2048xf32, #tpu.memory_space<vmem>>, vector<16xf32>,
      tpu.vector_store %arg7[%swap3A_63], %broadcast_in_dim3A_3 {strides = array<i32>} : memref<2048xf32, #tpu.memory_space<vmem>>, vector<16xf32>,
      %swap3A_65 = arith.constant 352 : index
      %swap3A_66 = tpu.vector_load %arg7[%swap3A_65] {strides = array<i32>} : memref<2048xf32, #tpu.memory_space<vmem>>, vector<16xf32>,
      tpu.vector_store %arg7[%swap3A_65], %broadcast_in_dim3A_3 {strides = array<i32>} : memref<2048xf32, #tpu.memory_space<vmem>>, vector<16xf32>,
      %swap3A_67 = arith.constant 368 : index
      %swap3A_68 = tpu.vector_load %arg7[%swap3A_67] {strides = array<i32>} : memref<2048xf32, #tpu.memory_space<vmem>>, vector<16xf32>,
      tpu.vector_store %arg7[%swap3A_67], %broadcast_in_dim3A_3 {strides = array<i32>} : memref<2048xf32, #tpu.memory_space<vmem>>, vector<16xf32>,
      %swap3A_69 = arith.constant 384 : index
      %swap3A_70 = tpu.vector_load %arg7[%swap3A_69] {strides = array<i32>} : memref<2048xf32, #tpu.memory_space<vmem>>, vector<16xf32>,
      tpu.vector_store %arg7[%swap3A_69], %broadcast_in_dim3A_3 {strides = array<i32>} : memref<2048xf32, #tpu.memory_space<vmem>>, vector<16xf32>,
      %swap3A_71 = arith.constant 400 : index
      %swap3A_72 = tpu.vector_load %arg7[%swap3A_71] {strides = array<i32>} : memref<2048xf32, #tpu.memory_space<vmem>>, vector<16xf32>,
      tpu.vector_store %arg7[%swap3A_71], %broadcast_in_dim3A_3 {strides = array<i32>} : memref<2048xf32, #tpu.memory_space<vmem>>, vector<16xf32>,
      %swap3A_73 = arith.constant 416 : index
      %swap3A_74 = tpu.vector_load %arg7[%swap3A_73] {strides = array<i32>} : memref<2048xf32, #tpu.memory_space<vmem>>, vector<16xf32>,
      tpu.vector_store %arg7[%swap3A_73], %broadcast_in_dim3A_3 {strides = array<i32>} : memref<2048xf32, #tpu.memory_space<vmem>>, vector<16xf32>,
      %swap3A_75 = arith.constant 432 : index
      %swap3A_76 = tpu.vector_load %arg7[%swap3A_75] {strides = array<i32>} : memref<2048xf32, #tpu.memory_space<vmem>>, vector<16xf32>,
      tpu.vector_store %arg7[%swap3A_75], %broadcast_in_dim3A_3 {strides = array<i32>} : memref<2048xf32, #tpu.memory_space<vmem>>, vector<16xf32>,
      %swap3A_77 = arith.constant 448 : index
      %swap3A_78 = tpu.vector_load %arg7[%swap3A_77] {strides = array<i32>} : memref<2048xf32, #tpu.memory_space<vmem>>, vector<16xf32>,
      tpu.vector_store %arg7[%swap3A_77], %broadcast_in_dim3A_3 {strides = array<i32>} : memref<2048xf32, #tpu.memory_space<vmem>>, vector<16xf32>,
      %swap3A_79 = arith.constant 464 : index
      %swap3A_80 = tpu.vector_load %arg7[%swap3A_79] {strides = array<i32>} : memref<2048xf32, #tpu.memory_space<vmem>>, vector<16xf32>,
      tpu.vector_store %arg7[%swap3A_79], %broadcast_in_dim3A_3 {strides = array<i32>} : memref<2048xf32, #tpu.memory_space<vmem>>, vector<16xf32>,
      %swap3A_81 = arith.constant 480 : index
      %swap3A_82 = tpu.vector_load %arg7[%swap3A_81] {strides = array<i32>} : memref<2048xf32, #tpu.memory_space<vmem>>, vector<16xf32>,
      tpu.vector_store %arg7[%swap3A_81], %broadcast_in_dim3A_3 {strides = array<i32>} : memref<2048xf32, #tpu.memory_space<vmem>>, vector<16xf32>,
      %swap3A_83 = arith.constant 496 : index
      %swap3A_84 = tpu.vector_load %arg7[%swap3A_83] {strides = array<i32>} : memref<2048xf32, #tpu.memory_space<vmem>>, vector<16xf32>,
      tpu.vector_store %arg7[%swap3A_83], %broadcast_in_dim3A_3 {strides = array<i32>} : memref<2048xf32, #tpu.memory_space<vmem>>, vector<16xf32>,
      %swap3A_85 = arith.constant 512 : index
      %swap3A_86 = tpu.vector_load %arg7[%swap3A_85] {strides = array<i32>} : memref<2048xf32, #tpu.memory_space<vmem>>, vector<16xf32>,
      tpu.vector_store %arg7[%swap3A_85], %broadcast_in_dim3A_3 {strides = array<i32>} : memref<2048xf32, #tpu.memory_space<vmem>>, vector<16xf32>,
      %swap3A_87 = arith.constant 528 : index
      %swap3A_88 = tpu.vector_load %arg7[%swap3A_87] {strides = array<i32>} : memref<2048xf32, #tpu.memory_space<vmem>>, vector<16xf32>,
      tpu.vector_store %arg7[%swap3A_87], %broadcast_in_dim3A_3 {strides = array<i32>} : memref<2048xf32, #tpu.memory_space<vmem>>, vector<16xf32>,
      %swap3A_89 = arith.constant 544 : index
      %swap3A_90 = tpu.vector_load %arg7[%swap3A_89] {strides = array<i32>} : memref<2048xf32, #tpu.memory_space<vmem>>, vector<16xf32>,
      tpu.vector_store %arg7[%swap3A_89], %broadcast_in_dim3A_3 {strides = array<i32>} : memref<2048xf32, #tpu.memory_space<vmem>>, vector<16xf32>,
      %swap3A_91 = arith.constant 560 : index
      %swap3A_92 = tpu.vector_load %arg7[%swap3A_91] {strides = array<i32>} : memref<2048xf32, #tpu.memory_space<vmem>>, vector<16xf32>,
      tpu.vector_store %arg7[%swap3A_91], %broadcast_in_dim3A_3 {strides = array<i32>} : memref<2048xf32, #tpu.memory_space<vmem>>, vector<16xf32>,
      %swap3A_93 = arith.constant 576 : index
      %swap3A_94 = tpu.vector_load %arg7[%swap3A_93] {strides = array<i32>} : memref<2048xf32, #tpu.memory_space<vmem>>, vector<16xf32>,
      tpu.vector_store %arg7[%swap3A_93], %broadcast_in_dim3A_3 {strides = array<i32>} : memref<2048xf32, #tpu.memory_space<vmem>>, vector<16xf32>,
      %swap3A_95 = arith.constant 592 : index
      %swap3A_96 = tpu.vector_load %arg7[%swap3A_95] {strides = array<i32>} : memref<2048xf32, #tpu.memory_space<vmem>>, vector<16xf32>,
      tpu.vector_store %arg7[%swap3A_95], %broadcast_in_dim3A_3 {strides = array<i32>} : memref<2048xf32, #tpu.memory_space<vmem>>, vector<16xf32>,
      %swap3A_97 = arith.constant 608 : index
      %swap3A_98 = tpu.vector_load %arg7[%swap3A_97] {strides = array<i32>} : memref<2048xf32, #tpu.memory_space<vmem>>, vector<16xf32>,
      tpu.vector_store %arg7[%swap3A_97], %broadcast_in_dim3A_3 {strides = array<i32>} : memref<2048xf32, #tpu.memory_space<vmem>>, vector<16xf32>,
      %swap3A_99 = arith.constant 624 : index
      %swap3A_100 = tpu.vector_load %arg7[%swap3A_99] {strides = array<i32>} : memref<2048xf32, #tpu.memory_space<vmem>>, vector<16xf32>,
      tpu.vector_store %arg7[%swap3A_99], %broadcast_in_dim3A_3 {strides = array<i32>} : memref<2048xf32, #tpu.memory_space<vmem>>, vector<16xf32>,
      %swap3A_101 = arith.constant 640 : index
      %swap3A_102 = tpu.vector_load %arg7[%swap3A_101] {strides = array<i32>} : memref<2048xf32, #tpu.memory_space<vmem>>, vector<16xf32>,
      tpu.vector_store %arg7[%swap3A_101], %broadcast_in_dim3A_3 {strides = array<i32>} : memref<2048xf32, #tpu.memory_space<vmem>>, vector<16xf32>,
      %swap3A_103 = arith.constant 656 : index
      %swap3A_104 = tpu.vector_load %arg7[%swap3A_103] {strides = array<i32>} : memref<2048xf32, #tpu.memory_space<vmem>>, vector<16xf32>,
      tpu.vector_store %arg7[%swap3A_103], %broadcast_in_dim3A_3 {strides = array<i32>} : memref<2048xf32, #tpu.memory_space<vmem>>, vector<16xf32>,
      %swap3A_105 = arith.constant 672 : index
      %swap3A_106 = tpu.vector_load %arg7[%swap3A_105] {strides = array<i32>} : memref<2048xf32, #tpu.memory_space<vmem>>, vector<16xf32>,
      tpu.vector_store %arg7[%swap3A_105], %broadcast_in_dim3A_3 {strides = array<i32>} : memref<2048xf32, #tpu.memory_space<vmem>>, vector<16xf32>,
      %swap3A_107 = arith.constant 688 : index
      %swap3A_108 = tpu.vector_load %arg7[%swap3A_107] {strides = array<i32>} : memref<2048xf32, #tpu.memory_space<vmem>>, vector<16xf32>,
      tpu.vector_store %arg7[%swap3A_107], %broadcast_in_dim3A_3 {strides = array<i32>} : memref<2048xf32, #tpu.memory_space<vmem>>, vector<16xf32>,
      %swap3A_109 = arith.constant 704 : index
      %swap3A_110 = tpu.vector_load %arg7[%swap3A_109] {strides = array<i32>} : memref<2048xf32, #tpu.memory_space<vmem>>, vector<16xf32>,
      tpu.vector_store %arg7[%swap3A_109], %broadcast_in_dim3A_3 {strides = array<i32>} : memref<2048xf32, #tpu.memory_space<vmem>>, vector<16xf32>,
      %swap3A_111 = arith.constant 720 : index
      %swap3A_112 = tpu.vector_load %arg7[%swap3A_111] {strides = array<i32>} : memref<2048xf32, #tpu.memory_space<vmem>>, vector<16xf32>,
      tpu.vector_store %arg7[%swap3A_111], %broadcast_in_dim3A_3 {strides = array<i32>} : memref<2048xf32, #tpu.memory_space<vmem>>, vector<16xf32>,
      %swap3A_113 = arith.constant 736 : index
      %swap3A_114 = tpu.vector_load %arg7[%swap3A_113] {strides = array<i32>} : memref<2048xf32, #tpu.memory_space<vmem>>, vector<16xf32>,
      tpu.vector_store %arg7[%swap3A_113], %broadcast_in_dim3A_3 {strides = array<i32>} : memref<2048xf32, #tpu.memory_space<vmem>>, vector<16xf32>,
      %swap3A_115 = arith.constant 752 : index
      %swap3A_116 = tpu.vector_load %arg7[%swap3A_115] {strides = array<i32>} : memref<2048xf32, #tpu.memory_space<vmem>>, vector<16xf32>,
      tpu.vector_store %arg7[%swap3A_115], %broadcast_in_dim3A_3 {strides = array<i32>} : memref<2048xf32, #tpu.memory_space<vmem>>, vector<16xf32>,
      %swap3A_117 = arith.constant 768 : index
      %swap3A_118 = tpu.vector_load %arg7[%swap3A_117] {strides = array<i32>} : memref<2048xf32, #tpu.memory_space<vmem>>, vector<16xf32>,
      tpu.vector_store %arg7[%swap3A_117], %broadcast_in_dim3A_3 {strides = array<i32>} : memref<2048xf32, #tpu.memory_space<vmem>>, vector<16xf32>,
      %swap3A_119 = arith.constant 784 : index
      %swap3A_120 = tpu.vector_load %arg7[%swap3A_119] {strides = array<i32>} : memref<2048xf32, #tpu.memory_space<vmem>>, vector<16xf32>,
      tpu.vector_store %arg7[%swap3A_119], %broadcast_in_dim3A_3 {strides = array<i32>} : memref<2048xf32, #tpu.memory_space<vmem>>, vector<16xf32>,
      %swap3A_121 = arith.constant 800 : index
      %swap3A_122 = tpu.vector_load %arg7[%swap3A_121] {strides = array<i32>} : memref<2048xf32, #tpu.memory_space<vmem>>, vector<16xf32>,
      tpu.vector_store %arg7[%swap3A_121], %broadcast_in_dim3A_3 {strides = array<i32>} : memref<2048xf32, #tpu.memory_space<vmem>>, vector<16xf32>,
      %swap3A_123 = arith.constant 816 : index
      %swap3A_124 = tpu.vector_load %arg7[%swap3A_123] {strides = array<i32>} : memref<2048xf32, #tpu.memory_space<vmem>>, vector<16xf32>,
      tpu.vector_store %arg7[%swap3A_123], %broadcast_in_dim3A_3 {strides = array<i32>} : memref<2048xf32, #tpu.memory_space<vmem>>, vector<16xf32>,
      %swap3A_125 = arith.constant 832 : index
      %swap3A_126 = tpu.vector_load %arg7[%swap3A_125] {strides = array<i32>} : memref<2048xf32, #tpu.memory_space<vmem>>, vector<16xf32>,
      tpu.vector_store %arg7[%swap3A_125], %broadcast_in_dim3A_3 {strides = array<i32>} : memref<2048xf32, #tpu.memory_space<vmem>>, vector<16xf32>,
      %swap3A_127 = arith.constant 848 : index
      %swap3A_128 = tpu.vector_load %arg7[%swap3A_127] {strides = array<i32>} : memref<2048xf32, #tpu.memory_space<vmem>>, vector<16xf32>,
      tpu.vector_store %arg7[%swap3A_127], %broadcast_in_dim3A_3 {strides = array<i32>} : memref<2048xf32, #tpu.memory_space<vmem>>, vector<16xf32>,
      %swap3A_129 = arith.constant 864 : index
      %swap3A_130 = tpu.vector_load %arg7[%swap3A_129] {strides = array<i32>} : memref<2048xf32, #tpu.memory_space<vmem>>, vector<16xf32>,
      tpu.vector_store %arg7[%swap3A_129], %broadcast_in_dim3A_3 {strides = array<i32>} : memref<2048xf32, #tpu.memory_space<vmem>>, vector<16xf32>,
      %swap3A_131 = arith.constant 880 : index
      %swap3A_132 = tpu.vector_load %arg7[%swap3A_131] {strides = array<i32>} : memref<2048xf32, #tpu.memory_space<vmem>>, vector<16xf32>,
      tpu.vector_store %arg7[%swap3A_131], %broadcast_in_dim3A_3 {strides = array<i32>} : memref<2048xf32, #tpu.memory_space<vmem>>, vector<16xf32>,
      %swap3A_133 = arith.constant 896 : index
      %swap3A_134 = tpu.vector_load %arg7[%swap3A_133] {strides = array<i32>} : memref<2048xf32, #tpu.memory_space<vmem>>, vector<16xf32>,
      tpu.vector_store %arg7[%swap3A_133], %broadcast_in_dim3A_3 {strides = array<i32>} : memref<2048xf32, #tpu.memory_space<vmem>>, vector<16xf32>,
      %swap3A_135 = arith.constant 912 : index
      %swap3A_136 = tpu.vector_load %arg7[%swap3A_135] {strides = array<i32>} : memref<2048xf32, #tpu.memory_space<vmem>>, vector<16xf32>,
      tpu.vector_store %arg7[%swap3A_135], %broadcast_in_dim3A_3 {strides = array<i32>} : memref<2048xf32, #tpu.memory_space<vmem>>, vector<16xf32>,
      %swap3A_137 = arith.constant 928 : index
      %swap3A_138 = tpu.vector_load %arg7[%swap3A_137] {strides = array<i32>} : memref<2048xf32, #tpu.memory_space<vmem>>, vector<16xf32>,
      tpu.vector_store %arg7[%swap3A_137], %broadcast_in_dim3A_3 {strides = array<i32>} : memref<2048xf32, #tpu.memory_space<vmem>>, vector<16xf32>,
      %swap3A_139 = arith.constant 944 : index
      %swap3A_140 = tpu.vector_load %arg7[%swap3A_139] {strides = array<i32>} : memref<2048xf32, #tpu.memory_space<vmem>>, vector<16xf32>,
      tpu.vector_store %arg7[%swap3A_139], %broadcast_in_dim3A_3 {strides = array<i32>} : memref<2048xf32, #tpu.memory_space<vmem>>, vector<16xf32>,
      %swap3A_141 = arith.constant 960 : index
      %swap3A_142 = tpu.vector_load %arg7[%swap3A_141] {strides = array<i32>} : memref<2048xf32, #tpu.memory_space<vmem>>, vector<16xf32>,
      tpu.vector_store %arg7[%swap3A_141], %broadcast_in_dim3A_3 {strides = array<i32>} : memref<2048xf32, #tpu.memory_space<vmem>>, vector<16xf32>,
      %swap3A_143 = arith.constant 976 : index
      %swap3A_144 = tpu.vector_load %arg7[%swap3A_143] {strides = array<i32>} : memref<2048xf32, #tpu.memory_space<vmem>>, vector<16xf32>,
      tpu.vector_store %arg7[%swap3A_143], %broadcast_in_dim3A_3 {strides = array<i32>} : memref<2048xf32, #tpu.memory_space<vmem>>, vector<16xf32>,
      %swap3A_145 = arith.constant 992 : index
      %swap3A_146 = tpu.vector_load %arg7[%swap3A_145] {strides = array<i32>} : memref<2048xf32, #tpu.memory_space<vmem>>, vector<16xf32>,
      tpu.vector_store %arg7[%swap3A_145], %broadcast_in_dim3A_3 {strides = array<i32>} : memref<2048xf32, #tpu.memory_space<vmem>>, vector<16xf32>,
      %swap3A_147 = arith.constant 1008 : index
      %swap3A_148 = tpu.vector_load %arg7[%swap3A_147] {strides = array<i32>} : memref<2048xf32, #tpu.memory_space<vmem>>, vector<16xf32>,
      tpu.vector_store %arg7[%swap3A_147], %broadcast_in_dim3A_3 {strides = array<i32>} : memref<2048xf32, #tpu.memory_space<vmem>>, vector<16xf32>,
      %swap3A_149 = arith.constant 1024 : index
      %swap3A_150 = tpu.vector_load %arg7[%swap3A_149] {strides = array<i32>} : memref<2048xf32, #tpu.memory_space<vmem>>, vector<16xf32>,
      tpu.vector_store %arg7[%swap3A_149], %broadcast_in_dim3A_3 {strides = array<i32>} : memref<2048xf32, #tpu.memory_space<vmem>>, vector<16xf32>,
      %swap3A_151 = arith.constant 1040 : index
      %swap3A_152 = tpu.vector_load %arg7[%swap3A_151] {strides = array<i32>} : memref<2048xf32, #tpu.memory_space<vmem>>, vector<16xf32>,
      tpu.vector_store %arg7[%swap3A_151], %broadcast_in_dim3A_3 {strides = array<i32>} : memref<2048xf32, #tpu.memory_space<vmem>>, vector<16xf32>,
      %swap3A_153 = arith.constant 1056 : index
      %swap3A_154 = tpu.vector_load %arg7[%swap3A_153] {strides = array<i32>} : memref<2048xf32, #tpu.memory_space<vmem>>, vector<16xf32>,
      tpu.vector_store %arg7[%swap3A_153], %broadcast_in_dim3A_3 {strides = array<i32>} : memref<2048xf32, #tpu.memory_space<vmem>>, vector<16xf32>,
      %swap3A_155 = arith.constant 1072 : index
      %swap3A_156 = tpu.vector_load %arg7[%swap3A_155] {strides = array<i32>} : memref<2048xf32, #tpu.memory_space<vmem>>, vector<16xf32>,
      tpu.vector_store %arg7[%swap3A_155], %broadcast_in_dim3A_3 {strides = array<i32>} : memref<2048xf32, #tpu.memory_space<vmem>>, vector<16xf32>,
      %swap3A_157 = arith.constant 1088 : index
      %swap3A_158 = tpu.vector_load %arg7[%swap3A_157] {strides = array<i32>} : memref<2048xf32, #tpu.memory_space<vmem>>, vector<16xf32>,
      tpu.vector_store %arg7[%swap3A_157], %broadcast_in_dim3A_3 {strides = array<i32>} : memref<2048xf32, #tpu.memory_space<vmem>>, vector<16xf32>,
      %swap3A_159 = arith.constant 1104 : index
      %swap3A_160 = tpu.vector_load %arg7[%swap3A_159] {strides = array<i32>} : memref<2048xf32, #tpu.memory_space<vmem>>, vector<16xf32>,
      tpu.vector_store %arg7[%swap3A_159], %broadcast_in_dim3A_3 {strides = array<i32>} : memref<2048xf32, #tpu.memory_space<vmem>>, vector<16xf32>,
      %swap3A_161 = arith.constant 1120 : index
      %swap3A_162 = tpu.vector_load %arg7[%swap3A_161] {strides = array<i32>} : memref<2048xf32, #tpu.memory_space<vmem>>, vector<16xf32>,
      tpu.vector_store %arg7[%swap3A_161], %broadcast_in_dim3A_3 {strides = array<i32>} : memref<2048xf32, #tpu.memory_space<vmem>>, vector<16xf32>,
      %swap3A_163 = arith.constant 1136 : index
      %swap3A_164 = tpu.vector_load %arg7[%swap3A_163] {strides = array<i32>} : memref<2048xf32, #tpu.memory_space<vmem>>, vector<16xf32>,
      tpu.vector_store %arg7[%swap3A_163], %broadcast_in_dim3A_3 {strides = array<i32>} : memref<2048xf32, #tpu.memory_space<vmem>>, vector<16xf32>,
      %swap3A_165 = arith.constant 1152 : index
      %swap3A_166 = tpu.vector_load %arg7[%swap3A_165] {strides = array<i32>} : memref<2048xf32, #tpu.memory_space<vmem>>, vector<16xf32>,
      tpu.vector_store %arg7[%swap3A_165], %broadcast_in_dim3A_3 {strides = array<i32>} : memref<2048xf32, #tpu.memory_space<vmem>>, vector<16xf32>,
      %swap3A_167 = arith.constant 1168 : index
      %swap3A_168 = tpu.vector_load %arg7[%swap3A_167] {strides = array<i32>} : memref<2048xf32, #tpu.memory_space<vmem>>, vector<16xf32>,
      tpu.vector_store %arg7[%swap3A_167], %broadcast_in_dim3A_3 {strides = array<i32>} : memref<2048xf32, #tpu.memory_space<vmem>>, vector<16xf32>,
      %swap3A_169 = arith.constant 1184 : index
      %swap3A_170 = tpu.vector_load %arg7[%swap3A_169] {strides = array<i32>} : memref<2048xf32, #tpu.memory_space<vmem>>, vector<16xf32>,
      tpu.vector_store %arg7[%swap3A_169], %broadcast_in_dim3A_3 {strides = array<i32>} : memref<2048xf32, #tpu.memory_space<vmem>>, vector<16xf32>,
      %swap3A_171 = arith.constant 1200 : index
      %swap3A_172 = tpu.vector_load %arg7[%swap3A_171] {strides = array<i32>} : memref<2048xf32, #tpu.memory_space<vmem>>, vector<16xf32>,
      tpu.vector_store %arg7[%swap3A_171], %broadcast_in_dim3A_3 {strides = array<i32>} : memref<2048xf32, #tpu.memory_space<vmem>>, vector<16xf32>,
      %swap3A_173 = arith.constant 1216 : index
      %swap3A_174 = tpu.vector_load %arg7[%swap3A_173] {strides = array<i32>} : memref<2048xf32, #tpu.memory_space<vmem>>, vector<16xf32>,
      tpu.vector_store %arg7[%swap3A_173], %broadcast_in_dim3A_3 {strides = array<i32>} : memref<2048xf32, #tpu.memory_space<vmem>>, vector<16xf32>,
      %swap3A_175 = arith.constant 1232 : index
      %swap3A_176 = tpu.vector_load %arg7[%swap3A_175] {strides = array<i32>} : memref<2048xf32, #tpu.memory_space<vmem>>, vector<16xf32>,
      tpu.vector_store %arg7[%swap3A_175], %broadcast_in_dim3A_3 {strides = array<i32>} : memref<2048xf32, #tpu.memory_space<vmem>>, vector<16xf32>,
      %swap3A_177 = arith.constant 1248 : index
      %swap3A_178 = tpu.vector_load %arg7[%swap3A_177] {strides = array<i32>} : memref<2048xf32, #tpu.memory_space<vmem>>, vector<16xf32>,
      tpu.vector_store %arg7[%swap3A_177], %broadcast_in_dim3A_3 {strides = array<i32>} : memref<2048xf32, #tpu.memory_space<vmem>>, vector<16xf32>,
      %swap3A_179 = arith.constant 1264 : index
      %swap3A_180 = tpu.vector_load %arg7[%swap3A_179] {strides = array<i32>} : memref<2048xf32, #tpu.memory_space<vmem>>, vector<16xf32>,
      tpu.vector_store %arg7[%swap3A_179], %broadcast_in_dim3A_3 {strides = array<i32>} : memref<2048xf32, #tpu.memory_space<vmem>>, vector<16xf32>,
      %swap3A_181 = arith.constant 1280 : index
      %swap3A_182 = tpu.vector_load %arg7[%swap3A_181] {strides = array<i32>} : memref<2048xf32, #tpu.memory_space<vmem>>, vector<16xf32>,
      tpu.vector_store %arg7[%swap3A_181], %broadcast_in_dim3A_3 {strides = array<i32>} : memref<2048xf32, #tpu.memory_space<vmem>>, vector<16xf32>,
      %swap3A_183 = arith.constant 1296 : index
      %swap3A_184 = tpu.vector_load %arg7[%swap3A_183] {strides = array<i32>} : memref<2048xf32, #tpu.memory_space<vmem>>, vector<16xf32>,
      tpu.vector_store %arg7[%swap3A_183], %broadcast_in_dim3A_3 {strides = array<i32>} : memref<2048xf32, #tpu.memory_space<vmem>>, vector<16xf32>,
      %swap3A_185 = arith.constant 1312 : index
      %swap3A_186 = tpu.vector_load %arg7[%swap3A_185] {strides = array<i32>} : memref<2048xf32, #tpu.memory_space<vmem>>, vector<16xf32>,
      tpu.vector_store %arg7[%swap3A_185], %broadcast_in_dim3A_3 {strides = array<i32>} : memref<2048xf32, #tpu.memory_space<vmem>>, vector<16xf32>,
      %swap3A_187 = arith.constant 1328 : index
      %swap3A_188 = tpu.vector_load %arg7[%swap3A_187] {strides = array<i32>} : memref<2048xf32, #tpu.memory_space<vmem>>, vector<16xf32>,
      tpu.vector_store %arg7[%swap3A_187], %broadcast_in_dim3A_3 {strides = array<i32>} : memref<2048xf32, #tpu.memory_space<vmem>>, vector<16xf32>,
      %swap3A_189 = arith.constant 1344 : index
      %swap3A_190 = tpu.vector_load %arg7[%swap3A_189] {strides = array<i32>} : memref<2048xf32, #tpu.memory_space<vmem>>, vector<16xf32>,
      tpu.vector_store %arg7[%swap3A_189], %broadcast_in_dim3A_3 {strides = array<i32>} : memref<2048xf32, #tpu.memory_space<vmem>>, vector<16xf32>,
      %swap3A_191 = arith.constant 1360 : index
      %swap3A_192 = tpu.vector_load %arg7[%swap3A_191] {strides = array<i32>} : memref<2048xf32, #tpu.memory_space<vmem>>, vector<16xf32>,
      tpu.vector_store %arg7[%swap3A_191], %broadcast_in_dim3A_3 {strides = array<i32>} : memref<2048xf32, #tpu.memory_space<vmem>>, vector<16xf32>,
      %swap3A_193 = arith.constant 1376 : index
      %swap3A_194 = tpu.vector_load %arg7[%swap3A_193] {strides = array<i32>} : memref<2048xf32, #tpu.memory_space<vmem>>, vector<16xf32>,
      tpu.vector_store %arg7[%swap3A_193], %broadcast_in_dim3A_3 {strides = array<i32>} : memref<2048xf32, #tpu.memory_space<vmem>>, vector<16xf32>,
      %swap3A_195 = arith.constant 1392 : index
      %swap3A_196 = tpu.vector_load %arg7[%swap3A_195] {strides = array<i32>} : memref<2048xf32, #tpu.memory_space<vmem>>, vector<16xf32>,
      tpu.vector_store %arg7[%swap3A_195], %broadcast_in_dim3A_3 {strides = array<i32>} : memref<2048xf32, #tpu.memory_space<vmem>>, vector<16xf32>,
      %swap3A_197 = arith.constant 1408 : index
      %swap3A_198 = tpu.vector_load %arg7[%swap3A_197] {strides = array<i32>} : memref<2048xf32, #tpu.memory_space<vmem>>, vector<16xf32>,
      tpu.vector_store %arg7[%swap3A_197], %broadcast_in_dim3A_3 {strides = array<i32>} : memref<2048xf32, #tpu.memory_space<vmem>>, vector<16xf32>,
      %swap3A_199 = arith.constant 1424 : index
      %swap3A_200 = tpu.vector_load %arg7[%swap3A_199] {strides = array<i32>} : memref<2048xf32, #tpu.memory_space<vmem>>, vector<16xf32>,
      tpu.vector_store %arg7[%swap3A_199], %broadcast_in_dim3A_3 {strides = array<i32>} : memref<2048xf32, #tpu.memory_space<vmem>>, vector<16xf32>,
      %swap3A_201 = arith.constant 1440 : index
      %swap3A_202 = tpu.vector_load %arg7[%swap3A_201] {strides = array<i32>} : memref<2048xf32, #tpu.memory_space<vmem>>, vector<16xf32>,
      tpu.vector_store %arg7[%swap3A_201], %broadcast_in_dim3A_3 {strides = array<i32>} : memref<2048xf32, #tpu.memory_space<vmem>>, vector<16xf32>,
      %swap3A_203 = arith.constant 1456 : index
      %swap3A_204 = tpu.vector_load %arg7[%swap3A_203] {strides = array<i32>} : memref<2048xf32, #tpu.memory_space<vmem>>, vector<16xf32>,
      tpu.vector_store %arg7[%swap3A_203], %broadcast_in_dim3A_3 {strides = array<i32>} : memref<2048xf32, #tpu.memory_space<vmem>>, vector<16xf32>,
      %swap3A_205 = arith.constant 1472 : index
      %swap3A_206 = tpu.vector_load %arg7[%swap3A_205] {strides = array<i32>} : memref<2048xf32, #tpu.memory_space<vmem>>, vector<16xf32>,
      tpu.vector_store %arg7[%swap3A_205], %broadcast_in_dim3A_3 {strides = array<i32>} : memref<2048xf32, #tpu.memory_space<vmem>>, vector<16xf32>,
      %swap3A_207 = arith.constant 1488 : index
      %swap3A_208 = tpu.vector_load %arg7[%swap3A_207] {strides = array<i32>} : memref<2048xf32, #tpu.memory_space<vmem>>, vector<16xf32>,
      tpu.vector_store %arg7[%swap3A_207], %broadcast_in_dim3A_3 {strides = array<i32>} : memref<2048xf32, #tpu.memory_space<vmem>>, vector<16xf32>,
      %swap3A_209 = arith.constant 1504 : index
      %swap3A_210 = tpu.vector_load %arg7[%swap3A_209] {strides = array<i32>} : memref<2048xf32, #tpu.memory_space<vmem>>, vector<16xf32>,
      tpu.vector_store %arg7[%swap3A_209], %broadcast_in_dim3A_3 {strides = array<i32>} : memref<2048xf32, #tpu.memory_space<vmem>>, vector<16xf32>,
      %swap3A_211 = arith.constant 1520 : index
      %swap3A_212 = tpu.vector_load %arg7[%swap3A_211] {strides = array<i32>} : memref<2048xf32, #tpu.memory_space<vmem>>, vector<16xf32>,
      tpu.vector_store %arg7[%swap3A_211], %broadcast_in_dim3A_3 {strides = array<i32>} : memref<2048xf32, #tpu.memory_space<vmem>>, vector<16xf32>,
      %swap3A_213 = arith.constant 1536 : index
      %swap3A_214 = tpu.vector_load %arg7[%swap3A_213] {strides = array<i32>} : memref<2048xf32, #tpu.memory_space<vmem>>, vector<16xf32>,
      tpu.vector_store %arg7[%swap3A_213], %broadcast_in_dim3A_3 {strides = array<i32>} : memref<2048xf32, #tpu.memory_space<vmem>>, vector<16xf32>,
      %swap3A_215 = arith.constant 1552 : index
      %swap3A_216 = tpu.vector_load %arg7[%swap3A_215] {strides = array<i32>} : memref<2048xf32, #tpu.memory_space<vmem>>, vector<16xf32>,
      tpu.vector_store %arg7[%swap3A_215], %broadcast_in_dim3A_3 {strides = array<i32>} : memref<2048xf32, #tpu.memory_space<vmem>>, vector<16xf32>,
      %swap3A_217 = arith.constant 1568 : index
      %swap3A_218 = tpu.vector_load %arg7[%swap3A_217] {strides = array<i32>} : memref<2048xf32, #tpu.memory_space<vmem>>, vector<16xf32>,
      tpu.vector_store %arg7[%swap3A_217], %broadcast_in_dim3A_3 {strides = array<i32>} : memref<2048xf32, #tpu.memory_space<vmem>>, vector<16xf32>,
      %swap3A_219 = arith.constant 1584 : index
      %swap3A_220 = tpu.vector_load %arg7[%swap3A_219] {strides = array<i32>} : memref<2048xf32, #tpu.memory_space<vmem>>, vector<16xf32>,
      tpu.vector_store %arg7[%swap3A_219], %broadcast_in_dim3A_3 {strides = array<i32>} : memref<2048xf32, #tpu.memory_space<vmem>>, vector<16xf32>,
      %swap3A_221 = arith.constant 1600 : index
      %swap3A_222 = tpu.vector_load %arg7[%swap3A_221] {strides = array<i32>} : memref<2048xf32, #tpu.memory_space<vmem>>, vector<16xf32>,
      tpu.vector_store %arg7[%swap3A_221], %broadcast_in_dim3A_3 {strides = array<i32>} : memref<2048xf32, #tpu.memory_space<vmem>>, vector<16xf32>,
      %swap3A_223 = arith.constant 1616 : index
      %swap3A_224 = tpu.vector_load %arg7[%swap3A_223] {strides = array<i32>} : memref<2048xf32, #tpu.memory_space<vmem>>, vector<16xf32>,
      tpu.vector_store %arg7[%swap3A_223], %broadcast_in_dim3A_3 {strides = array<i32>} : memref<2048xf32, #tpu.memory_space<vmem>>, vector<16xf32>,
      %swap3A_225 = arith.constant 1632 : index
      %swap3A_226 = tpu.vector_load %arg7[%swap3A_225] {strides = array<i32>} : memref<2048xf32, #tpu.memory_space<vmem>>, vector<16xf32>,
      tpu.vector_store %arg7[%swap3A_225], %broadcast_in_dim3A_3 {strides = array<i32>} : memref<2048xf32, #tpu.memory_space<vmem>>, vector<16xf32>,
      %swap3A_227 = arith.constant 1648 : index
      %swap3A_228 = tpu.vector_load %arg7[%swap3A_227] {strides = array<i32>} : memref<2048xf32, #tpu.memory_space<vmem>>, vector<16xf32>,
      tpu.vector_store %arg7[%swap3A_227], %broadcast_in_dim3A_3 {strides = array<i32>} : memref<2048xf32, #tpu.memory_space<vmem>>, vector<16xf32>,
      %swap3A_229 = arith.constant 1664 : index
      %swap3A_230 = tpu.vector_load %arg7[%swap3A_229] {strides = array<i32>} : memref<2048xf32, #tpu.memory_space<vmem>>, vector<16xf32>,
      tpu.vector_store %arg7[%swap3A_229], %broadcast_in_dim3A_3 {strides = array<i32>} : memref<2048xf32, #tpu.memory_space<vmem>>, vector<16xf32>,
      %swap3A_231 = arith.constant 1680 : index
      %swap3A_232 = tpu.vector_load %arg7[%swap3A_231] {strides = array<i32>} : memref<2048xf32, #tpu.memory_space<vmem>>, vector<16xf32>,
      tpu.vector_store %arg7[%swap3A_231], %broadcast_in_dim3A_3 {strides = array<i32>} : memref<2048xf32, #tpu.memory_space<vmem>>, vector<16xf32>,
      %swap3A_233 = arith.constant 1696 : index
      %swap3A_234 = tpu.vector_load %arg7[%swap3A_233] {strides = array<i32>} : memref<2048xf32, #tpu.memory_space<vmem>>, vector<16xf32>,
      tpu.vector_store %arg7[%swap3A_233], %broadcast_in_dim3A_3 {strides = array<i32>} : memref<2048xf32, #tpu.memory_space<vmem>>, vector<16xf32>,
      %swap3A_235 = arith.constant 1712 : index
      %swap3A_236 = tpu.vector_load %arg7[%swap3A_235] {strides = array<i32>} : memref<2048xf32, #tpu.memory_space<vmem>>, vector<16xf32>,
      tpu.vector_store %arg7[%swap3A_235], %broadcast_in_dim3A_3 {strides = array<i32>} : memref<2048xf32, #tpu.memory_space<vmem>>, vector<16xf32>,
      %swap3A_237 = arith.constant 1728 : index
      %swap3A_238 = tpu.vector_load %arg7[%swap3A_237] {strides = array<i32>} : memref<2048xf32, #tpu.memory_space<vmem>>, vector<16xf32>,
      tpu.vector_store %arg7[%swap3A_237], %broadcast_in_dim3A_3 {strides = array<i32>} : memref<2048xf32, #tpu.memory_space<vmem>>, vector<16xf32>,
      %swap3A_239 = arith.constant 1744 : index
      %swap3A_240 = tpu.vector_load %arg7[%swap3A_239] {strides = array<i32>} : memref<2048xf32, #tpu.memory_space<vmem>>, vector<16xf32>,
      tpu.vector_store %arg7[%swap3A_239], %broadcast_in_dim3A_3 {strides = array<i32>} : memref<2048xf32, #tpu.memory_space<vmem>>, vector<16xf32>,
      %swap3A_241 = arith.constant 1760 : index
      %swap3A_242 = tpu.vector_load %arg7[%swap3A_241] {strides = array<i32>} : memref<2048xf32, #tpu.memory_space<vmem>>, vector<16xf32>,
      tpu.vector_store %arg7[%swap3A_241], %broadcast_in_dim3A_3 {strides = array<i32>} : memref<2048xf32, #tpu.memory_space<vmem>>, vector<16xf32>,
      %swap3A_243 = arith.constant 1776 : index
      %swap3A_244 = tpu.vector_load %arg7[%swap3A_243] {strides = array<i32>} : memref<2048xf32, #tpu.memory_space<vmem>>, vector<16xf32>,
      tpu.vector_store %arg7[%swap3A_243], %broadcast_in_dim3A_3 {strides = array<i32>} : memref<2048xf32, #tpu.memory_space<vmem>>, vector<16xf32>,
      %swap3A_245 = arith.constant 1792 : index
      %swap3A_246 = tpu.vector_load %arg7[%swap3A_245] {strides = array<i32>} : memref<2048xf32, #tpu.memory_space<vmem>>, vector<16xf32>,
      tpu.vector_store %arg7[%swap3A_245], %broadcast_in_dim3A_3 {strides = array<i32>} : memref<2048xf32, #tpu.memory_space<vmem>>, vector<16xf32>,
      %swap3A_247 = arith.constant 1808 : index
      %swap3A_248 = tpu.vector_load %arg7[%swap3A_247] {strides = array<i32>} : memref<2048xf32, #tpu.memory_space<vmem>>, vector<16xf32>,
      tpu.vector_store %arg7[%swap3A_247], %broadcast_in_dim3A_3 {strides = array<i32>} : memref<2048xf32, #tpu.memory_space<vmem>>, vector<16xf32>,
      %swap3A_249 = arith.constant 1824 : index
      %swap3A_250 = tpu.vector_load %arg7[%swap3A_249] {strides = array<i32>} : memref<2048xf32, #tpu.memory_space<vmem>>, vector<16xf32>,
      tpu.vector_store %arg7[%swap3A_249], %broadcast_in_dim3A_3 {strides = array<i32>} : memref<2048xf32, #tpu.memory_space<vmem>>, vector<16xf32>,
      %swap3A_251 = arith.constant 1840 : index
      %swap3A_252 = tpu.vector_load %arg7[%swap3A_251] {strides = array<i32>} : memref<2048xf32, #tpu.memory_space<vmem>>, vector<16xf32>,
      tpu.vector_store %arg7[%swap3A_251], %broadcast_in_dim3A_3 {strides = array<i32>} : memref<2048xf32, #tpu.memory_space<vmem>>, vector<16xf32>,
      %swap3A_253 = arith.constant 1856 : index
      %swap3A_254 = tpu.vector_load %arg7[%swap3A_253] {strides = array<i32>} : memref<2048xf32, #tpu.memory_space<vmem>>, vector<16xf32>,
      tpu.vector_store %arg7[%swap3A_253], %broadcast_in_dim3A_3 {strides = array<i32>} : memref<2048xf32, #tpu.memory_space<vmem>>, vector<16xf32>,
      %swap3A_255 = arith.constant 1872 : index
      %swap3A_256 = tpu.vector_load %arg7[%swap3A_255] {strides = array<i32>} : memref<2048xf32, #tpu.memory_space<vmem>>, vector<16xf32>,
      tpu.vector_store %arg7[%swap3A_255], %broadcast_in_dim3A_3 {strides = array<i32>} : memref<2048xf32, #tpu.memory_space<vmem>>, vector<16xf32>,
      %swap3A_257 = arith.constant 1888 : index
      %swap3A_258 = tpu.vector_load %arg7[%swap3A_257] {strides = array<i32>} : memref<2048xf32, #tpu.memory_space<vmem>>, vector<16xf32>,
      tpu.vector_store %arg7[%swap3A_257], %broadcast_in_dim3A_3 {strides = array<i32>} : memref<2048xf32, #tpu.memory_space<vmem>>, vector<16xf32>,
      %swap3A_259 = arith.constant 1904 : index
      %swap3A_260 = tpu.vector_load %arg7[%swap3A_259] {strides = array<i32>} : memref<2048xf32, #tpu.memory_space<vmem>>, vector<16xf32>,
      tpu.vector_store %arg7[%swap3A_259], %broadcast_in_dim3A_3 {strides = array<i32>} : memref<2048xf32, #tpu.memory_space<vmem>>, vector<16xf32>,
      %swap3A_261 = arith.constant 1920 : index
      %swap3A_262 = tpu.vector_load %arg7[%swap3A_261] {strides = array<i32>} : memref<2048xf32, #tpu.memory_space<vmem>>, vector<16xf32>,
      tpu.vector_store %arg7[%swap3A_261], %broadcast_in_dim3A_3 {strides = array<i32>} : memref<2048xf32, #tpu.memory_space<vmem>>, vector<16xf32>,
      %swap3A_263 = arith.constant 1936 : index
      %swap3A_264 = tpu.vector_load %arg7[%swap3A_263] {strides = array<i32>} : memref<2048xf32, #tpu.memory_space<vmem>>, vector<16xf32>,
      tpu.vector_store %arg7[%swap3A_263], %broadcast_in_dim3A_3 {strides = array<i32>} : memref<2048xf32, #tpu.memory_space<vmem>>, vector<16xf32>,
      %swap3A_265 = arith.constant 1952 : index
      %swap3A_266 = tpu.vector_load %arg7[%swap3A_265] {strides = array<i32>} : memref<2048xf32, #tpu.memory_space<vmem>>, vector<16xf32>,
      tpu.vector_store %arg7[%swap3A_265], %broadcast_in_dim3A_3 {strides = array<i32>} : memref<2048xf32, #tpu.memory_space<vmem>>, vector<16xf32>,
      %swap3A_267 = arith.constant 1968 : index
      %swap3A_268 = tpu.vector_load %arg7[%swap3A_267] {strides = array<i32>} : memref<2048xf32, #tpu.memory_space<vmem>>, vector<16xf32>,
      tpu.vector_store %arg7[%swap3A_267], %broadcast_in_dim3A_3 {strides = array<i32>} : memref<2048xf32, #tpu.memory_space<vmem>>, vector<16xf32>,
      %swap3A_269 = arith.constant 1984 : index
      %swap3A_270 = tpu.vector_load %arg7[%swap3A_269] {strides = array<i32>} : memref<2048xf32, #tpu.memory_space<vmem>>, vector<16xf32>,
      tpu.vector_store %arg7[%swap3A_269], %broadcast_in_dim3A_3 {strides = array<i32>} : memref<2048xf32, #tpu.memory_space<vmem>>, vector<16xf32>,
      %swap3A_271 = arith.constant 2000 : index
      %swap3A_272 = tpu.vector_load %arg7[%swap3A_271] {strides = array<i32>} : memref<2048xf32, #tpu.memory_space<vmem>>, vector<16xf32>,
      tpu.vector_store %arg7[%swap3A_271], %broadcast_in_dim3A_3 {strides = array<i32>} : memref<2048xf32, #tpu.memory_space<vmem>>, vector<16xf32>,
      %swap3A_273 = arith.constant 2016 : index
      %swap3A_274 = tpu.vector_load %arg7[%swap3A_273] {strides = array<i32>} : memref<2048xf32, #tpu.memory_space<vmem>>, vector<16xf32>,
      tpu.vector_store %arg7[%swap3A_273], %broadcast_in_dim3A_3 {strides = array<i32>} : memref<2048xf32, #tpu.memory_space<vmem>>, vector<16xf32>,
      %swap3A_275 = arith.constant 2032 : index
      %swap3A_276 = tpu.vector_load %arg7[%swap3A_275] {strides = array<i32>} : memref<2048xf32, #tpu.memory_space<vmem>>, vector<16xf32>,
      tpu.vector_store %arg7[%swap3A_275], %broadcast_in_dim3A_3 {strides = array<i32>} : memref<2048xf32, #tpu.memory_space<vmem>>, vector<16xf32>,
      %dma_wait3A = arith.constant 0 : i32
      %dma_wait3A_277 = tpu.memref_slice %arg2[%add3A_14, %dma_wait3A] : memref<4096x64xi32, #tpu.memory_space<hbm>> -> memref<8x64xi32, #tpu.memory_space<hbm>>
      %dma_wait3A_278 = arith.constant 0 : i32
      %dma_wait3A_279 = tpu.memref_slice %arg2[%add3A_14, %dma_wait3A_278] : memref<4096x64xi32, #tpu.memory_space<hbm>> -> memref<8x64xi32, #tpu.memory_space<hbm>>
      tpu.wait_dma2 semaphore(%arg8 : memref<!tpu.dma_semaphore, #tpu.memory_space<semaphore_mem>>) src(%dma_wait3A_279 : memref<8x64xi32, #tpu.memory_space<hbm>>) dst(%arg5 : memref<8x64xi32, #tpu.memory_space<vmem>>)
      %dma_wait3A_280 = arith.constant 0 : i32
      %dma_wait3A_281 = tpu.memref_slice %arg3[%add3A_14, %dma_wait3A_280] : memref<4096x64xi32, #tpu.memory_space<hbm>> -> memref<8x64xi32, #tpu.memory_space<hbm>>
      %dma_wait3A_282 = arith.constant 0 : i32
      %dma_wait3A_283 = tpu.memref_slice %arg3[%add3A_14, %dma_wait3A_282] : memref<4096x64xi32, #tpu.memory_space<hbm>> -> memref<8x64xi32, #tpu.memory_space<hbm>>
      tpu.wait_dma2 semaphore(%arg9 : memref<!tpu.dma_semaphore, #tpu.memory_space<semaphore_mem>>) src(%dma_wait3A_283 : memref<8x64xi32, #tpu.memory_space<hbm>>) dst(%arg6 : memref<8x64xi32, #tpu.memory_space<vmem>>)
      %get3A = arith.constant 0 : i32
      %get3A_284 = arith.index_cast %get3A : i32 to index
      %get3A_285 = arith.constant 0 : index
      %get3A_286 = tpu.vector_load %arg5[%get3A_284, %get3A_285] {strides = array<i32>} : memref<8x64xi32, #tpu.memory_space<vmem>>, vector<16xi32>,
      %get3A_287 = arith.constant 0 : i32
      %get3A_288 = arith.index_cast %get3A_287 : i32 to index
      %get3A_289 = arith.constant 0 : index
      %get3A_290 = tpu.vector_load %arg6[%get3A_288, %get3A_289] {strides = array<i32>} : memref<8x64xi32, #tpu.memory_space<vmem>>, vector<16xi32>,
      %mul3A_291 = arith.constant 16 : i32
      %mul3A_292 = vector.broadcast %mul3A_291 : i32 to vector<16xi32>
      %mul3A_293 = arith.muli %get3A_286, %mul3A_292 : vector<16xi32>
      %add3A_294 = arith.constant 0 : i32
      %add3A_295 = vector.broadcast %add3A_294 : i32 to vector<16xi32>
      %add3A_296 = arith.addi %add3A_295, %mul3A_293 : vector<16xi32>
      %add3A_297 = arith.addi %add3A_296, %get3A_290 : vector<16xi32>
      %ne3A = arith.cmpi ne, %get3A_286, %get3A_290 : vector<16xi32>
      tpu.vector_store_idx %arg7[%add3A_297], %broadcast_in_dim3A_5 masked %ne3A {add = true} : memref<2048xf32, #tpu.memory_space<vmem>>[vector<16xi32>], vector<16xf32>, vector<16xi1>
      %get3A_298 = arith.constant 0 : i32
      %get3A_299 = arith.index_cast %get3A_298 : i32 to index
      %get3A_300 = arith.constant 16 : index
      %get3A_301 = tpu.vector_load %arg5[%get3A_299, %get3A_300] {strides = array<i32>} : memref<8x64xi32, #tpu.memory_space<vmem>>, vector<16xi32>,
      %get3A_302 = arith.constant 0 : i32
      %get3A_303 = arith.index_cast %get3A_302 : i32 to index
      %get3A_304 = arith.constant 16 : index
      %get3A_305 = tpu.vector_load %arg6[%get3A_303, %get3A_304] {strides = array<i32>} : memref<8x64xi32, #tpu.memory_space<vmem>>, vector<16xi32>,
      %mul3A_306 = arith.constant 16 : i32
      %mul3A_307 = vector.broadcast %mul3A_306 : i32 to vector<16xi32>
      %mul3A_308 = arith.muli %get3A_301, %mul3A_307 : vector<16xi32>
      %add3A_309 = arith.constant 0 : i32
      %add3A_310 = vector.broadcast %add3A_309 : i32 to vector<16xi32>
      %add3A_311 = arith.addi %add3A_310, %mul3A_308 : vector<16xi32>
      %add3A_312 = arith.addi %add3A_311, %get3A_305 : vector<16xi32>
      %ne3A_313 = arith.cmpi ne, %get3A_301, %get3A_305 : vector<16xi32>
      tpu.vector_store_idx %arg7[%add3A_312], %broadcast_in_dim3A_5 masked %ne3A_313 {add = true} : memref<2048xf32, #tpu.memory_space<vmem>>[vector<16xi32>], vector<16xf32>, vector<16xi1>
      %get3A_314 = arith.constant 0 : i32
      %get3A_315 = arith.index_cast %get3A_314 : i32 to index
      %get3A_316 = arith.constant 32 : index
      %get3A_317 = tpu.vector_load %arg5[%get3A_315, %get3A_316] {strides = array<i32>} : memref<8x64xi32, #tpu.memory_space<vmem>>, vector<16xi32>,
      %get3A_318 = arith.constant 0 : i32
      %get3A_319 = arith.index_cast %get3A_318 : i32 to index
      %get3A_320 = arith.constant 32 : index
      %get3A_321 = tpu.vector_load %arg6[%get3A_319, %get3A_320] {strides = array<i32>} : memref<8x64xi32, #tpu.memory_space<vmem>>, vector<16xi32>,
      %mul3A_322 = arith.constant 16 : i32
      %mul3A_323 = vector.broadcast %mul3A_322 : i32 to vector<16xi32>
      %mul3A_324 = arith.muli %get3A_317, %mul3A_323 : vector<16xi32>
      %add3A_325 = arith.constant 0 : i32
      %add3A_326 = vector.broadcast %add3A_325 : i32 to vector<16xi32>
      %add3A_327 = arith.addi %add3A_326, %mul3A_324 : vector<16xi32>
      %add3A_328 = arith.addi %add3A_327, %get3A_321 : vector<16xi32>
      %ne3A_329 = arith.cmpi ne, %get3A_317, %get3A_321 : vector<16xi32>
      tpu.vector_store_idx %arg7[%add3A_328], %broadcast_in_dim3A_5 masked %ne3A_329 {add = true} : memref<2048xf32, #tpu.memory_space<vmem>>[vector<16xi32>], vector<16xf32>, vector<16xi1>
      %get3A_330 = arith.constant 0 : i32
      %get3A_331 = arith.index_cast %get3A_330 : i32 to index
      %get3A_332 = arith.constant 48 : index
      %get3A_333 = tpu.vector_load %arg5[%get3A_331, %get3A_332] {strides = array<i32>} : memref<8x64xi32, #tpu.memory_space<vmem>>, vector<16xi32>,
      %get3A_334 = arith.constant 0 : i32
      %get3A_335 = arith.index_cast %get3A_334 : i32 to index
      %get3A_336 = arith.constant 48 : index
      %get3A_337 = tpu.vector_load %arg6[%get3A_335, %get3A_336] {strides = array<i32>} : memref<8x64xi32, #tpu.memory_space<vmem>>, vector<16xi32>,
      %mul3A_338 = arith.constant 16 : i32
      %mul3A_339 = vector.broadcast %mul3A_338 : i32 to vector<16xi32>
      %mul3A_340 = arith.muli %get3A_333, %mul3A_339 : vector<16xi32>
      %add3A_341 = arith.constant 0 : i32
      %add3A_342 = vector.broadcast %add3A_341 : i32 to vector<16xi32>
      %add3A_343 = arith.addi %add3A_342, %mul3A_340 : vector<16xi32>
      %add3A_344 = arith.addi %add3A_343, %get3A_337 : vector<16xi32>
      %ne3A_345 = arith.cmpi ne, %get3A_333, %get3A_337 : vector<16xi32>
      tpu.vector_store_idx %arg7[%add3A_344], %broadcast_in_dim3A_5 masked %ne3A_345 {add = true} : memref<2048xf32, #tpu.memory_space<vmem>>[vector<16xi32>], vector<16xf32>, vector<16xi1>
      %get3A_346 = arith.constant 1 : i32
      %get3A_347 = arith.index_cast %get3A_346 : i32 to index
      %get3A_348 = arith.constant 0 : index
      %get3A_349 = tpu.vector_load %arg5[%get3A_347, %get3A_348] {strides = array<i32>} : memref<8x64xi32, #tpu.memory_space<vmem>>, vector<16xi32>,
      %get3A_350 = arith.constant 1 : i32
      %get3A_351 = arith.index_cast %get3A_350 : i32 to index
      %get3A_352 = arith.constant 0 : index
      %get3A_353 = tpu.vector_load %arg6[%get3A_351, %get3A_352] {strides = array<i32>} : memref<8x64xi32, #tpu.memory_space<vmem>>, vector<16xi32>,
      %mul3A_354 = arith.constant 16 : i32
      %mul3A_355 = vector.broadcast %mul3A_354 : i32 to vector<16xi32>
      %mul3A_356 = arith.muli %get3A_349, %mul3A_355 : vector<16xi32>
      %add3A_357 = arith.constant 256 : i32
      %add3A_358 = vector.broadcast %add3A_357 : i32 to vector<16xi32>
      %add3A_359 = arith.addi %add3A_358, %mul3A_356 : vector<16xi32>
      %add3A_360 = arith.addi %add3A_359, %get3A_353 : vector<16xi32>
      %ne3A_361 = arith.cmpi ne, %get3A_349, %get3A_353 : vector<16xi32>
      tpu.vector_store_idx %arg7[%add3A_360], %broadcast_in_dim3A_5 masked %ne3A_361 {add = true} : memref<2048xf32, #tpu.memory_space<vmem>>[vector<16xi32>], vector<16xf32>, vector<16xi1>
      %get3A_362 = arith.constant 1 : i32
      %get3A_363 = arith.index_cast %get3A_362 : i32 to index
      %get3A_364 = arith.constant 16 : index
      %get3A_365 = tpu.vector_load %arg5[%get3A_363, %get3A_364] {strides = array<i32>} : memref<8x64xi32, #tpu.memory_space<vmem>>, vector<16xi32>,
      %get3A_366 = arith.constant 1 : i32
      %get3A_367 = arith.index_cast %get3A_366 : i32 to index
      %get3A_368 = arith.constant 16 : index
      %get3A_369 = tpu.vector_load %arg6[%get3A_367, %get3A_368] {strides = array<i32>} : memref<8x64xi32, #tpu.memory_space<vmem>>, vector<16xi32>,
      %mul3A_370 = arith.constant 16 : i32
      %mul3A_371 = vector.broadcast %mul3A_370 : i32 to vector<16xi32>
      %mul3A_372 = arith.muli %get3A_365, %mul3A_371 : vector<16xi32>
      %add3A_373 = arith.constant 256 : i32
      %add3A_374 = vector.broadcast %add3A_373 : i32 to vector<16xi32>
      %add3A_375 = arith.addi %add3A_374, %mul3A_372 : vector<16xi32>
      %add3A_376 = arith.addi %add3A_375, %get3A_369 : vector<16xi32>
      %ne3A_377 = arith.cmpi ne, %get3A_365, %get3A_369 : vector<16xi32>
      tpu.vector_store_idx %arg7[%add3A_376], %broadcast_in_dim3A_5 masked %ne3A_377 {add = true} : memref<2048xf32, #tpu.memory_space<vmem>>[vector<16xi32>], vector<16xf32>, vector<16xi1>
      %get3A_378 = arith.constant 1 : i32
      %get3A_379 = arith.index_cast %get3A_378 : i32 to index
      %get3A_380 = arith.constant 32 : index
      %get3A_381 = tpu.vector_load %arg5[%get3A_379, %get3A_380] {strides = array<i32>} : memref<8x64xi32, #tpu.memory_space<vmem>>, vector<16xi32>,
      %get3A_382 = arith.constant 1 : i32
      %get3A_383 = arith.index_cast %get3A_382 : i32 to index
      %get3A_384 = arith.constant 32 : index
      %get3A_385 = tpu.vector_load %arg6[%get3A_383, %get3A_384] {strides = array<i32>} : memref<8x64xi32, #tpu.memory_space<vmem>>, vector<16xi32>,
      %mul3A_386 = arith.constant 16 : i32
      %mul3A_387 = vector.broadcast %mul3A_386 : i32 to vector<16xi32>
      %mul3A_388 = arith.muli %get3A_381, %mul3A_387 : vector<16xi32>
      %add3A_389 = arith.constant 256 : i32
      %add3A_390 = vector.broadcast %add3A_389 : i32 to vector<16xi32>
      %add3A_391 = arith.addi %add3A_390, %mul3A_388 : vector<16xi32>
      %add3A_392 = arith.addi %add3A_391, %get3A_385 : vector<16xi32>
      %ne3A_393 = arith.cmpi ne, %get3A_381, %get3A_385 : vector<16xi32>
      tpu.vector_store_idx %arg7[%add3A_392], %broadcast_in_dim3A_5 masked %ne3A_393 {add = true} : memref<2048xf32, #tpu.memory_space<vmem>>[vector<16xi32>], vector<16xf32>, vector<16xi1>
      %get3A_394 = arith.constant 1 : i32
      %get3A_395 = arith.index_cast %get3A_394 : i32 to index
      %get3A_396 = arith.constant 48 : index
      %get3A_397 = tpu.vector_load %arg5[%get3A_395, %get3A_396] {strides = array<i32>} : memref<8x64xi32, #tpu.memory_space<vmem>>, vector<16xi32>,
      %get3A_398 = arith.constant 1 : i32
      %get3A_399 = arith.index_cast %get3A_398 : i32 to index
      %get3A_400 = arith.constant 48 : index
      %get3A_401 = tpu.vector_load %arg6[%get3A_399, %get3A_400] {strides = array<i32>} : memref<8x64xi32, #tpu.memory_space<vmem>>, vector<16xi32>,
      %mul3A_402 = arith.constant 16 : i32
      %mul3A_403 = vector.broadcast %mul3A_402 : i32 to vector<16xi32>
      %mul3A_404 = arith.muli %get3A_397, %mul3A_403 : vector<16xi32>
      %add3A_405 = arith.constant 256 : i32
      %add3A_406 = vector.broadcast %add3A_405 : i32 to vector<16xi32>
      %add3A_407 = arith.addi %add3A_406, %mul3A_404 : vector<16xi32>
      %add3A_408 = arith.addi %add3A_407, %get3A_401 : vector<16xi32>
      %ne3A_409 = arith.cmpi ne, %get3A_397, %get3A_401 : vector<16xi32>
      tpu.vector_store_idx %arg7[%add3A_408], %broadcast_in_dim3A_5 masked %ne3A_409 {add = true} : memref<2048xf32, #tpu.memory_space<vmem>>[vector<16xi32>], vector<16xf32>, vector<16xi1>
      %get3A_410 = arith.constant 2 : i32
      %get3A_411 = arith.index_cast %get3A_410 : i32 to index
      %get3A_412 = arith.constant 0 : index
      %get3A_413 = tpu.vector_load %arg5[%get3A_411, %get3A_412] {strides = array<i32>} : memref<8x64xi32, #tpu.memory_space<vmem>>, vector<16xi32>,
      %get3A_414 = arith.constant 2 : i32
      %get3A_415 = arith.index_cast %get3A_414 : i32 to index
      %get3A_416 = arith.constant 0 : index
      %get3A_417 = tpu.vector_load %arg6[%get3A_415, %get3A_416] {strides = array<i32>} : memref<8x64xi32, #tpu.memory_space<vmem>>, vector<16xi32>,
      %mul3A_418 = arith.constant 16 : i32
      %mul3A_419 = vector.broadcast %mul3A_418 : i32 to vector<16xi32>
      %mul3A_420 = arith.muli %get3A_413, %mul3A_419 : vector<16xi32>
      %add3A_421 = arith.constant 512 : i32
      %add3A_422 = vector.broadcast %add3A_421 : i32 to vector<16xi32>
      %add3A_423 = arith.addi %add3A_422, %mul3A_420 : vector<16xi32>
      %add3A_424 = arith.addi %add3A_423, %get3A_417 : vector<16xi32>
      %ne3A_425 = arith.cmpi ne, %get3A_413, %get3A_417 : vector<16xi32>
      tpu.vector_store_idx %arg7[%add3A_424], %broadcast_in_dim3A_5 masked %ne3A_425 {add = true} : memref<2048xf32, #tpu.memory_space<vmem>>[vector<16xi32>], vector<16xf32>, vector<16xi1>
      %get3A_426 = arith.constant 2 : i32
      %get3A_427 = arith.index_cast %get3A_426 : i32 to index
      %get3A_428 = arith.constant 16 : index
      %get3A_429 = tpu.vector_load %arg5[%get3A_427, %get3A_428] {strides = array<i32>} : memref<8x64xi32, #tpu.memory_space<vmem>>, vector<16xi32>,
      %get3A_430 = arith.constant 2 : i32
      %get3A_431 = arith.index_cast %get3A_430 : i32 to index
      %get3A_432 = arith.constant 16 : index
      %get3A_433 = tpu.vector_load %arg6[%get3A_431, %get3A_432] {strides = array<i32>} : memref<8x64xi32, #tpu.memory_space<vmem>>, vector<16xi32>,
      %mul3A_434 = arith.constant 16 : i32
      %mul3A_435 = vector.broadcast %mul3A_434 : i32 to vector<16xi32>
      %mul3A_436 = arith.muli %get3A_429, %mul3A_435 : vector<16xi32>
      %add3A_437 = arith.constant 512 : i32
      %add3A_438 = vector.broadcast %add3A_437 : i32 to vector<16xi32>
      %add3A_439 = arith.addi %add3A_438, %mul3A_436 : vector<16xi32>
      %add3A_440 = arith.addi %add3A_439, %get3A_433 : vector<16xi32>
      %ne3A_441 = arith.cmpi ne, %get3A_429, %get3A_433 : vector<16xi32>
      tpu.vector_store_idx %arg7[%add3A_440], %broadcast_in_dim3A_5 masked %ne3A_441 {add = true} : memref<2048xf32, #tpu.memory_space<vmem>>[vector<16xi32>], vector<16xf32>, vector<16xi1>
      %get3A_442 = arith.constant 2 : i32
      %get3A_443 = arith.index_cast %get3A_442 : i32 to index
      %get3A_444 = arith.constant 32 : index
      %get3A_445 = tpu.vector_load %arg5[%get3A_443, %get3A_444] {strides = array<i32>} : memref<8x64xi32, #tpu.memory_space<vmem>>, vector<16xi32>,
      %get3A_446 = arith.constant 2 : i32
      %get3A_447 = arith.index_cast %get3A_446 : i32 to index
      %get3A_448 = arith.constant 32 : index
      %get3A_449 = tpu.vector_load %arg6[%get3A_447, %get3A_448] {strides = array<i32>} : memref<8x64xi32, #tpu.memory_space<vmem>>, vector<16xi32>,
      %mul3A_450 = arith.constant 16 : i32
      %mul3A_451 = vector.broadcast %mul3A_450 : i32 to vector<16xi32>
      %mul3A_452 = arith.muli %get3A_445, %mul3A_451 : vector<16xi32>
      %add3A_453 = arith.constant 512 : i32
      %add3A_454 = vector.broadcast %add3A_453 : i32 to vector<16xi32>
      %add3A_455 = arith.addi %add3A_454, %mul3A_452 : vector<16xi32>
      %add3A_456 = arith.addi %add3A_455, %get3A_449 : vector<16xi32>
      %ne3A_457 = arith.cmpi ne, %get3A_445, %get3A_449 : vector<16xi32>
      tpu.vector_store_idx %arg7[%add3A_456], %broadcast_in_dim3A_5 masked %ne3A_457 {add = true} : memref<2048xf32, #tpu.memory_space<vmem>>[vector<16xi32>], vector<16xf32>, vector<16xi1>
      %get3A_458 = arith.constant 2 : i32
      %get3A_459 = arith.index_cast %get3A_458 : i32 to index
      %get3A_460 = arith.constant 48 : index
      %get3A_461 = tpu.vector_load %arg5[%get3A_459, %get3A_460] {strides = array<i32>} : memref<8x64xi32, #tpu.memory_space<vmem>>, vector<16xi32>,
      %get3A_462 = arith.constant 2 : i32
      %get3A_463 = arith.index_cast %get3A_462 : i32 to index
      %get3A_464 = arith.constant 48 : index
      %get3A_465 = tpu.vector_load %arg6[%get3A_463, %get3A_464] {strides = array<i32>} : memref<8x64xi32, #tpu.memory_space<vmem>>, vector<16xi32>,
      %mul3A_466 = arith.constant 16 : i32
      %mul3A_467 = vector.broadcast %mul3A_466 : i32 to vector<16xi32>
      %mul3A_468 = arith.muli %get3A_461, %mul3A_467 : vector<16xi32>
      %add3A_469 = arith.constant 512 : i32
      %add3A_470 = vector.broadcast %add3A_469 : i32 to vector<16xi32>
      %add3A_471 = arith.addi %add3A_470, %mul3A_468 : vector<16xi32>
      %add3A_472 = arith.addi %add3A_471, %get3A_465 : vector<16xi32>
      %ne3A_473 = arith.cmpi ne, %get3A_461, %get3A_465 : vector<16xi32>
      tpu.vector_store_idx %arg7[%add3A_472], %broadcast_in_dim3A_5 masked %ne3A_473 {add = true} : memref<2048xf32, #tpu.memory_space<vmem>>[vector<16xi32>], vector<16xf32>, vector<16xi1>
      %get3A_474 = arith.constant 3 : i32
      %get3A_475 = arith.index_cast %get3A_474 : i32 to index
      %get3A_476 = arith.constant 0 : index
      %get3A_477 = tpu.vector_load %arg5[%get3A_475, %get3A_476] {strides = array<i32>} : memref<8x64xi32, #tpu.memory_space<vmem>>, vector<16xi32>,
      %get3A_478 = arith.constant 3 : i32
      %get3A_479 = arith.index_cast %get3A_478 : i32 to index
      %get3A_480 = arith.constant 0 : index
      %get3A_481 = tpu.vector_load %arg6[%get3A_479, %get3A_480] {strides = array<i32>} : memref<8x64xi32, #tpu.memory_space<vmem>>, vector<16xi32>,
      %mul3A_482 = arith.constant 16 : i32
      %mul3A_483 = vector.broadcast %mul3A_482 : i32 to vector<16xi32>
      %mul3A_484 = arith.muli %get3A_477, %mul3A_483 : vector<16xi32>
      %add3A_485 = arith.constant 768 : i32
      %add3A_486 = vector.broadcast %add3A_485 : i32 to vector<16xi32>
      %add3A_487 = arith.addi %add3A_486, %mul3A_484 : vector<16xi32>
      %add3A_488 = arith.addi %add3A_487, %get3A_481 : vector<16xi32>
      %ne3A_489 = arith.cmpi ne, %get3A_477, %get3A_481 : vector<16xi32>
      tpu.vector_store_idx %arg7[%add3A_488], %broadcast_in_dim3A_5 masked %ne3A_489 {add = true} : memref<2048xf32, #tpu.memory_space<vmem>>[vector<16xi32>], vector<16xf32>, vector<16xi1>
      %get3A_490 = arith.constant 3 : i32
      %get3A_491 = arith.index_cast %get3A_490 : i32 to index
      %get3A_492 = arith.constant 16 : index
      %get3A_493 = tpu.vector_load %arg5[%get3A_491, %get3A_492] {strides = array<i32>} : memref<8x64xi32, #tpu.memory_space<vmem>>, vector<16xi32>,
      %get3A_494 = arith.constant 3 : i32
      %get3A_495 = arith.index_cast %get3A_494 : i32 to index
      %get3A_496 = arith.constant 16 : index
      %get3A_497 = tpu.vector_load %arg6[%get3A_495, %get3A_496] {strides = array<i32>} : memref<8x64xi32, #tpu.memory_space<vmem>>, vector<16xi32>,
      %mul3A_498 = arith.constant 16 : i32
      %mul3A_499 = vector.broadcast %mul3A_498 : i32 to vector<16xi32>
      %mul3A_500 = arith.muli %get3A_493, %mul3A_499 : vector<16xi32>
      %add3A_501 = arith.constant 768 : i32
      %add3A_502 = vector.broadcast %add3A_501 : i32 to vector<16xi32>
      %add3A_503 = arith.addi %add3A_502, %mul3A_500 : vector<16xi32>
      %add3A_504 = arith.addi %add3A_503, %get3A_497 : vector<16xi32>
      %ne3A_505 = arith.cmpi ne, %get3A_493, %get3A_497 : vector<16xi32>
      tpu.vector_store_idx %arg7[%add3A_504], %broadcast_in_dim3A_5 masked %ne3A_505 {add = true} : memref<2048xf32, #tpu.memory_space<vmem>>[vector<16xi32>], vector<16xf32>, vector<16xi1>
      %get3A_506 = arith.constant 3 : i32
      %get3A_507 = arith.index_cast %get3A_506 : i32 to index
      %get3A_508 = arith.constant 32 : index
      %get3A_509 = tpu.vector_load %arg5[%get3A_507, %get3A_508] {strides = array<i32>} : memref<8x64xi32, #tpu.memory_space<vmem>>, vector<16xi32>,
      %get3A_510 = arith.constant 3 : i32
      %get3A_511 = arith.index_cast %get3A_510 : i32 to index
      %get3A_512 = arith.constant 32 : index
      %get3A_513 = tpu.vector_load %arg6[%get3A_511, %get3A_512] {strides = array<i32>} : memref<8x64xi32, #tpu.memory_space<vmem>>, vector<16xi32>,
      %mul3A_514 = arith.constant 16 : i32
      %mul3A_515 = vector.broadcast %mul3A_514 : i32 to vector<16xi32>
      %mul3A_516 = arith.muli %get3A_509, %mul3A_515 : vector<16xi32>
      %add3A_517 = arith.constant 768 : i32
      %add3A_518 = vector.broadcast %add3A_517 : i32 to vector<16xi32>
      %add3A_519 = arith.addi %add3A_518, %mul3A_516 : vector<16xi32>
      %add3A_520 = arith.addi %add3A_519, %get3A_513 : vector<16xi32>
      %ne3A_521 = arith.cmpi ne, %get3A_509, %get3A_513 : vector<16xi32>
      tpu.vector_store_idx %arg7[%add3A_520], %broadcast_in_dim3A_5 masked %ne3A_521 {add = true} : memref<2048xf32, #tpu.memory_space<vmem>>[vector<16xi32>], vector<16xf32>, vector<16xi1>
      %get3A_522 = arith.constant 3 : i32
      %get3A_523 = arith.index_cast %get3A_522 : i32 to index
      %get3A_524 = arith.constant 48 : index
      %get3A_525 = tpu.vector_load %arg5[%get3A_523, %get3A_524] {strides = array<i32>} : memref<8x64xi32, #tpu.memory_space<vmem>>, vector<16xi32>,
      %get3A_526 = arith.constant 3 : i32
      %get3A_527 = arith.index_cast %get3A_526 : i32 to index
      %get3A_528 = arith.constant 48 : index
      %get3A_529 = tpu.vector_load %arg6[%get3A_527, %get3A_528] {strides = array<i32>} : memref<8x64xi32, #tpu.memory_space<vmem>>, vector<16xi32>,
      %mul3A_530 = arith.constant 16 : i32
      %mul3A_531 = vector.broadcast %mul3A_530 : i32 to vector<16xi32>
      %mul3A_532 = arith.muli %get3A_525, %mul3A_531 : vector<16xi32>
      %add3A_533 = arith.constant 768 : i32
      %add3A_534 = vector.broadcast %add3A_533 : i32 to vector<16xi32>
      %add3A_535 = arith.addi %add3A_534, %mul3A_532 : vector<16xi32>
      %add3A_536 = arith.addi %add3A_535, %get3A_529 : vector<16xi32>
      %ne3A_537 = arith.cmpi ne, %get3A_525, %get3A_529 : vector<16xi32>
      tpu.vector_store_idx %arg7[%add3A_536], %broadcast_in_dim3A_5 masked %ne3A_537 {add = true} : memref<2048xf32, #tpu.memory_space<vmem>>[vector<16xi32>], vector<16xf32>, vector<16xi1>
      %get3A_538 = arith.constant 4 : i32
      %get3A_539 = arith.index_cast %get3A_538 : i32 to index
      %get3A_540 = arith.constant 0 : index
      %get3A_541 = tpu.vector_load %arg5[%get3A_539, %get3A_540] {strides = array<i32>} : memref<8x64xi32, #tpu.memory_space<vmem>>, vector<16xi32>,
      %get3A_542 = arith.constant 4 : i32
      %get3A_543 = arith.index_cast %get3A_542 : i32 to index
      %get3A_544 = arith.constant 0 : index
      %get3A_545 = tpu.vector_load %arg6[%get3A_543, %get3A_544] {strides = array<i32>} : memref<8x64xi32, #tpu.memory_space<vmem>>, vector<16xi32>,
      %mul3A_546 = arith.constant 16 : i32
      %mul3A_547 = vector.broadcast %mul3A_546 : i32 to vector<16xi32>
      %mul3A_548 = arith.muli %get3A_541, %mul3A_547 : vector<16xi32>
      %add3A_549 = arith.constant 1024 : i32
      %add3A_550 = vector.broadcast %add3A_549 : i32 to vector<16xi32>
      %add3A_551 = arith.addi %add3A_550, %mul3A_548 : vector<16xi32>
      %add3A_552 = arith.addi %add3A_551, %get3A_545 : vector<16xi32>
      %ne3A_553 = arith.cmpi ne, %get3A_541, %get3A_545 : vector<16xi32>
      tpu.vector_store_idx %arg7[%add3A_552], %broadcast_in_dim3A_5 masked %ne3A_553 {add = true} : memref<2048xf32, #tpu.memory_space<vmem>>[vector<16xi32>], vector<16xf32>, vector<16xi1>
      %get3A_554 = arith.constant 4 : i32
      %get3A_555 = arith.index_cast %get3A_554 : i32 to index
      %get3A_556 = arith.constant 16 : index
      %get3A_557 = tpu.vector_load %arg5[%get3A_555, %get3A_556] {strides = array<i32>} : memref<8x64xi32, #tpu.memory_space<vmem>>, vector<16xi32>,
      %get3A_558 = arith.constant 4 : i32
      %get3A_559 = arith.index_cast %get3A_558 : i32 to index
      %get3A_560 = arith.constant 16 : index
      %get3A_561 = tpu.vector_load %arg6[%get3A_559, %get3A_560] {strides = array<i32>} : memref<8x64xi32, #tpu.memory_space<vmem>>, vector<16xi32>,
      %mul3A_562 = arith.constant 16 : i32
      %mul3A_563 = vector.broadcast %mul3A_562 : i32 to vector<16xi32>
      %mul3A_564 = arith.muli %get3A_557, %mul3A_563 : vector<16xi32>
      %add3A_565 = arith.constant 1024 : i32
      %add3A_566 = vector.broadcast %add3A_565 : i32 to vector<16xi32>
      %add3A_567 = arith.addi %add3A_566, %mul3A_564 : vector<16xi32>
      %add3A_568 = arith.addi %add3A_567, %get3A_561 : vector<16xi32>
      %ne3A_569 = arith.cmpi ne, %get3A_557, %get3A_561 : vector<16xi32>
      tpu.vector_store_idx %arg7[%add3A_568], %broadcast_in_dim3A_5 masked %ne3A_569 {add = true} : memref<2048xf32, #tpu.memory_space<vmem>>[vector<16xi32>], vector<16xf32>, vector<16xi1>
      %get3A_570 = arith.constant 4 : i32
      %get3A_571 = arith.index_cast %get3A_570 : i32 to index
      %get3A_572 = arith.constant 32 : index
      %get3A_573 = tpu.vector_load %arg5[%get3A_571, %get3A_572] {strides = array<i32>} : memref<8x64xi32, #tpu.memory_space<vmem>>, vector<16xi32>,
      %get3A_574 = arith.constant 4 : i32
      %get3A_575 = arith.index_cast %get3A_574 : i32 to index
      %get3A_576 = arith.constant 32 : index
      %get3A_577 = tpu.vector_load %arg6[%get3A_575, %get3A_576] {strides = array<i32>} : memref<8x64xi32, #tpu.memory_space<vmem>>, vector<16xi32>,
      %mul3A_578 = arith.constant 16 : i32
      %mul3A_579 = vector.broadcast %mul3A_578 : i32 to vector<16xi32>
      %mul3A_580 = arith.muli %get3A_573, %mul3A_579 : vector<16xi32>
      %add3A_581 = arith.constant 1024 : i32
      %add3A_582 = vector.broadcast %add3A_581 : i32 to vector<16xi32>
      %add3A_583 = arith.addi %add3A_582, %mul3A_580 : vector<16xi32>
      %add3A_584 = arith.addi %add3A_583, %get3A_577 : vector<16xi32>
      %ne3A_585 = arith.cmpi ne, %get3A_573, %get3A_577 : vector<16xi32>
      tpu.vector_store_idx %arg7[%add3A_584], %broadcast_in_dim3A_5 masked %ne3A_585 {add = true} : memref<2048xf32, #tpu.memory_space<vmem>>[vector<16xi32>], vector<16xf32>, vector<16xi1>
      %get3A_586 = arith.constant 4 : i32
      %get3A_587 = arith.index_cast %get3A_586 : i32 to index
      %get3A_588 = arith.constant 48 : index
      %get3A_589 = tpu.vector_load %arg5[%get3A_587, %get3A_588] {strides = array<i32>} : memref<8x64xi32, #tpu.memory_space<vmem>>, vector<16xi32>,
      %get3A_590 = arith.constant 4 : i32
      %get3A_591 = arith.index_cast %get3A_590 : i32 to index
      %get3A_592 = arith.constant 48 : index
      %get3A_593 = tpu.vector_load %arg6[%get3A_591, %get3A_592] {strides = array<i32>} : memref<8x64xi32, #tpu.memory_space<vmem>>, vector<16xi32>,
      %mul3A_594 = arith.constant 16 : i32
      %mul3A_595 = vector.broadcast %mul3A_594 : i32 to vector<16xi32>
      %mul3A_596 = arith.muli %get3A_589, %mul3A_595 : vector<16xi32>
      %add3A_597 = arith.constant 1024 : i32
      %add3A_598 = vector.broadcast %add3A_597 : i32 to vector<16xi32>
      %add3A_599 = arith.addi %add3A_598, %mul3A_596 : vector<16xi32>
      %add3A_600 = arith.addi %add3A_599, %get3A_593 : vector<16xi32>
      %ne3A_601 = arith.cmpi ne, %get3A_589, %get3A_593 : vector<16xi32>
      tpu.vector_store_idx %arg7[%add3A_600], %broadcast_in_dim3A_5 masked %ne3A_601 {add = true} : memref<2048xf32, #tpu.memory_space<vmem>>[vector<16xi32>], vector<16xf32>, vector<16xi1>
      %get3A_602 = arith.constant 5 : i32
      %get3A_603 = arith.index_cast %get3A_602 : i32 to index
      %get3A_604 = arith.constant 0 : index
      %get3A_605 = tpu.vector_load %arg5[%get3A_603, %get3A_604] {strides = array<i32>} : memref<8x64xi32, #tpu.memory_space<vmem>>, vector<16xi32>,
      %get3A_606 = arith.constant 5 : i32
      %get3A_607 = arith.index_cast %get3A_606 : i32 to index
      %get3A_608 = arith.constant 0 : index
      %get3A_609 = tpu.vector_load %arg6[%get3A_607, %get3A_608] {strides = array<i32>} : memref<8x64xi32, #tpu.memory_space<vmem>>, vector<16xi32>,
      %mul3A_610 = arith.constant 16 : i32
      %mul3A_611 = vector.broadcast %mul3A_610 : i32 to vector<16xi32>
      %mul3A_612 = arith.muli %get3A_605, %mul3A_611 : vector<16xi32>
      %add3A_613 = arith.constant 1280 : i32
      %add3A_614 = vector.broadcast %add3A_613 : i32 to vector<16xi32>
      %add3A_615 = arith.addi %add3A_614, %mul3A_612 : vector<16xi32>
      %add3A_616 = arith.addi %add3A_615, %get3A_609 : vector<16xi32>
      %ne3A_617 = arith.cmpi ne, %get3A_605, %get3A_609 : vector<16xi32>
      tpu.vector_store_idx %arg7[%add3A_616], %broadcast_in_dim3A_5 masked %ne3A_617 {add = true} : memref<2048xf32, #tpu.memory_space<vmem>>[vector<16xi32>], vector<16xf32>, vector<16xi1>
      %get3A_618 = arith.constant 5 : i32
      %get3A_619 = arith.index_cast %get3A_618 : i32 to index
      %get3A_620 = arith.constant 16 : index
      %get3A_621 = tpu.vector_load %arg5[%get3A_619, %get3A_620] {strides = array<i32>} : memref<8x64xi32, #tpu.memory_space<vmem>>, vector<16xi32>,
      %get3A_622 = arith.constant 5 : i32
      %get3A_623 = arith.index_cast %get3A_622 : i32 to index
      %get3A_624 = arith.constant 16 : index
      %get3A_625 = tpu.vector_load %arg6[%get3A_623, %get3A_624] {strides = array<i32>} : memref<8x64xi32, #tpu.memory_space<vmem>>, vector<16xi32>,
      %mul3A_626 = arith.constant 16 : i32
      %mul3A_627 = vector.broadcast %mul3A_626 : i32 to vector<16xi32>
      %mul3A_628 = arith.muli %get3A_621, %mul3A_627 : vector<16xi32>
      %add3A_629 = arith.constant 1280 : i32
      %add3A_630 = vector.broadcast %add3A_629 : i32 to vector<16xi32>
      %add3A_631 = arith.addi %add3A_630, %mul3A_628 : vector<16xi32>
      %add3A_632 = arith.addi %add3A_631, %get3A_625 : vector<16xi32>
      %ne3A_633 = arith.cmpi ne, %get3A_621, %get3A_625 : vector<16xi32>
      tpu.vector_store_idx %arg7[%add3A_632], %broadcast_in_dim3A_5 masked %ne3A_633 {add = true} : memref<2048xf32, #tpu.memory_space<vmem>>[vector<16xi32>], vector<16xf32>, vector<16xi1>
      %get3A_634 = arith.constant 5 : i32
      %get3A_635 = arith.index_cast %get3A_634 : i32 to index
      %get3A_636 = arith.constant 32 : index
      %get3A_637 = tpu.vector_load %arg5[%get3A_635, %get3A_636] {strides = array<i32>} : memref<8x64xi32, #tpu.memory_space<vmem>>, vector<16xi32>,
      %get3A_638 = arith.constant 5 : i32
      %get3A_639 = arith.index_cast %get3A_638 : i32 to index
      %get3A_640 = arith.constant 32 : index
      %get3A_641 = tpu.vector_load %arg6[%get3A_639, %get3A_640] {strides = array<i32>} : memref<8x64xi32, #tpu.memory_space<vmem>>, vector<16xi32>,
      %mul3A_642 = arith.constant 16 : i32
      %mul3A_643 = vector.broadcast %mul3A_642 : i32 to vector<16xi32>
      %mul3A_644 = arith.muli %get3A_637, %mul3A_643 : vector<16xi32>
      %add3A_645 = arith.constant 1280 : i32
      %add3A_646 = vector.broadcast %add3A_645 : i32 to vector<16xi32>
      %add3A_647 = arith.addi %add3A_646, %mul3A_644 : vector<16xi32>
      %add3A_648 = arith.addi %add3A_647, %get3A_641 : vector<16xi32>
      %ne3A_649 = arith.cmpi ne, %get3A_637, %get3A_641 : vector<16xi32>
      tpu.vector_store_idx %arg7[%add3A_648], %broadcast_in_dim3A_5 masked %ne3A_649 {add = true} : memref<2048xf32, #tpu.memory_space<vmem>>[vector<16xi32>], vector<16xf32>, vector<16xi1>
      %get3A_650 = arith.constant 5 : i32
      %get3A_651 = arith.index_cast %get3A_650 : i32 to index
      %get3A_652 = arith.constant 48 : index
      %get3A_653 = tpu.vector_load %arg5[%get3A_651, %get3A_652] {strides = array<i32>} : memref<8x64xi32, #tpu.memory_space<vmem>>, vector<16xi32>,
      %get3A_654 = arith.constant 5 : i32
      %get3A_655 = arith.index_cast %get3A_654 : i32 to index
      %get3A_656 = arith.constant 48 : index
      %get3A_657 = tpu.vector_load %arg6[%get3A_655, %get3A_656] {strides = array<i32>} : memref<8x64xi32, #tpu.memory_space<vmem>>, vector<16xi32>,
      %mul3A_658 = arith.constant 16 : i32
      %mul3A_659 = vector.broadcast %mul3A_658 : i32 to vector<16xi32>
      %mul3A_660 = arith.muli %get3A_653, %mul3A_659 : vector<16xi32>
      %add3A_661 = arith.constant 1280 : i32
      %add3A_662 = vector.broadcast %add3A_661 : i32 to vector<16xi32>
      %add3A_663 = arith.addi %add3A_662, %mul3A_660 : vector<16xi32>
      %add3A_664 = arith.addi %add3A_663, %get3A_657 : vector<16xi32>
      %ne3A_665 = arith.cmpi ne, %get3A_653, %get3A_657 : vector<16xi32>
      tpu.vector_store_idx %arg7[%add3A_664], %broadcast_in_dim3A_5 masked %ne3A_665 {add = true} : memref<2048xf32, #tpu.memory_space<vmem>>[vector<16xi32>], vector<16xf32>, vector<16xi1>
      %get3A_666 = arith.constant 6 : i32
      %get3A_667 = arith.index_cast %get3A_666 : i32 to index
      %get3A_668 = arith.constant 0 : index
      %get3A_669 = tpu.vector_load %arg5[%get3A_667, %get3A_668] {strides = array<i32>} : memref<8x64xi32, #tpu.memory_space<vmem>>, vector<16xi32>,
      %get3A_670 = arith.constant 6 : i32
      %get3A_671 = arith.index_cast %get3A_670 : i32 to index
      %get3A_672 = arith.constant 0 : index
      %get3A_673 = tpu.vector_load %arg6[%get3A_671, %get3A_672] {strides = array<i32>} : memref<8x64xi32, #tpu.memory_space<vmem>>, vector<16xi32>,
      %mul3A_674 = arith.constant 16 : i32
      %mul3A_675 = vector.broadcast %mul3A_674 : i32 to vector<16xi32>
      %mul3A_676 = arith.muli %get3A_669, %mul3A_675 : vector<16xi32>
      %add3A_677 = arith.constant 1536 : i32
      %add3A_678 = vector.broadcast %add3A_677 : i32 to vector<16xi32>
      %add3A_679 = arith.addi %add3A_678, %mul3A_676 : vector<16xi32>
      %add3A_680 = arith.addi %add3A_679, %get3A_673 : vector<16xi32>
      %ne3A_681 = arith.cmpi ne, %get3A_669, %get3A_673 : vector<16xi32>
      tpu.vector_store_idx %arg7[%add3A_680], %broadcast_in_dim3A_5 masked %ne3A_681 {add = true} : memref<2048xf32, #tpu.memory_space<vmem>>[vector<16xi32>], vector<16xf32>, vector<16xi1>
      %get3A_682 = arith.constant 6 : i32
      %get3A_683 = arith.index_cast %get3A_682 : i32 to index
      %get3A_684 = arith.constant 16 : index
      %get3A_685 = tpu.vector_load %arg5[%get3A_683, %get3A_684] {strides = array<i32>} : memref<8x64xi32, #tpu.memory_space<vmem>>, vector<16xi32>,
      %get3A_686 = arith.constant 6 : i32
      %get3A_687 = arith.index_cast %get3A_686 : i32 to index
      %get3A_688 = arith.constant 16 : index
      %get3A_689 = tpu.vector_load %arg6[%get3A_687, %get3A_688] {strides = array<i32>} : memref<8x64xi32, #tpu.memory_space<vmem>>, vector<16xi32>,
      %mul3A_690 = arith.constant 16 : i32
      %mul3A_691 = vector.broadcast %mul3A_690 : i32 to vector<16xi32>
      %mul3A_692 = arith.muli %get3A_685, %mul3A_691 : vector<16xi32>
      %add3A_693 = arith.constant 1536 : i32
      %add3A_694 = vector.broadcast %add3A_693 : i32 to vector<16xi32>
      %add3A_695 = arith.addi %add3A_694, %mul3A_692 : vector<16xi32>
      %add3A_696 = arith.addi %add3A_695, %get3A_689 : vector<16xi32>
      %ne3A_697 = arith.cmpi ne, %get3A_685, %get3A_689 : vector<16xi32>
      tpu.vector_store_idx %arg7[%add3A_696], %broadcast_in_dim3A_5 masked %ne3A_697 {add = true} : memref<2048xf32, #tpu.memory_space<vmem>>[vector<16xi32>], vector<16xf32>, vector<16xi1>
      %get3A_698 = arith.constant 6 : i32
      %get3A_699 = arith.index_cast %get3A_698 : i32 to index
      %get3A_700 = arith.constant 32 : index
      %get3A_701 = tpu.vector_load %arg5[%get3A_699, %get3A_700] {strides = array<i32>} : memref<8x64xi32, #tpu.memory_space<vmem>>, vector<16xi32>,
      %get3A_702 = arith.constant 6 : i32
      %get3A_703 = arith.index_cast %get3A_702 : i32 to index
      %get3A_704 = arith.constant 32 : index
      %get3A_705 = tpu.vector_load %arg6[%get3A_703, %get3A_704] {strides = array<i32>} : memref<8x64xi32, #tpu.memory_space<vmem>>, vector<16xi32>,
      %mul3A_706 = arith.constant 16 : i32
      %mul3A_707 = vector.broadcast %mul3A_706 : i32 to vector<16xi32>
      %mul3A_708 = arith.muli %get3A_701, %mul3A_707 : vector<16xi32>
      %add3A_709 = arith.constant 1536 : i32
      %add3A_710 = vector.broadcast %add3A_709 : i32 to vector<16xi32>
      %add3A_711 = arith.addi %add3A_710, %mul3A_708 : vector<16xi32>
      %add3A_712 = arith.addi %add3A_711, %get3A_705 : vector<16xi32>
      %ne3A_713 = arith.cmpi ne, %get3A_701, %get3A_705 : vector<16xi32>
      tpu.vector_store_idx %arg7[%add3A_712], %broadcast_in_dim3A_5 masked %ne3A_713 {add = true} : memref<2048xf32, #tpu.memory_space<vmem>>[vector<16xi32>], vector<16xf32>, vector<16xi1>
      %get3A_714 = arith.constant 6 : i32
      %get3A_715 = arith.index_cast %get3A_714 : i32 to index
      %get3A_716 = arith.constant 48 : index
      %get3A_717 = tpu.vector_load %arg5[%get3A_715, %get3A_716] {strides = array<i32>} : memref<8x64xi32, #tpu.memory_space<vmem>>, vector<16xi32>,
      %get3A_718 = arith.constant 6 : i32
      %get3A_719 = arith.index_cast %get3A_718 : i32 to index
      %get3A_720 = arith.constant 48 : index
      %get3A_721 = tpu.vector_load %arg6[%get3A_719, %get3A_720] {strides = array<i32>} : memref<8x64xi32, #tpu.memory_space<vmem>>, vector<16xi32>,
      %mul3A_722 = arith.constant 16 : i32
      %mul3A_723 = vector.broadcast %mul3A_722 : i32 to vector<16xi32>
      %mul3A_724 = arith.muli %get3A_717, %mul3A_723 : vector<16xi32>
      %add3A_725 = arith.constant 1536 : i32
      %add3A_726 = vector.broadcast %add3A_725 : i32 to vector<16xi32>
      %add3A_727 = arith.addi %add3A_726, %mul3A_724 : vector<16xi32>
      %add3A_728 = arith.addi %add3A_727, %get3A_721 : vector<16xi32>
      %ne3A_729 = arith.cmpi ne, %get3A_717, %get3A_721 : vector<16xi32>
      tpu.vector_store_idx %arg7[%add3A_728], %broadcast_in_dim3A_5 masked %ne3A_729 {add = true} : memref<2048xf32, #tpu.memory_space<vmem>>[vector<16xi32>], vector<16xf32>, vector<16xi1>
      %get3A_730 = arith.constant 7 : i32
      %get3A_731 = arith.index_cast %get3A_730 : i32 to index
      %get3A_732 = arith.constant 0 : index
      %get3A_733 = tpu.vector_load %arg5[%get3A_731, %get3A_732] {strides = array<i32>} : memref<8x64xi32, #tpu.memory_space<vmem>>, vector<16xi32>,
      %get3A_734 = arith.constant 7 : i32
      %get3A_735 = arith.index_cast %get3A_734 : i32 to index
      %get3A_736 = arith.constant 0 : index
      %get3A_737 = tpu.vector_load %arg6[%get3A_735, %get3A_736] {strides = array<i32>} : memref<8x64xi32, #tpu.memory_space<vmem>>, vector<16xi32>,
      %mul3A_738 = arith.constant 16 : i32
      %mul3A_739 = vector.broadcast %mul3A_738 : i32 to vector<16xi32>
      %mul3A_740 = arith.muli %get3A_733, %mul3A_739 : vector<16xi32>
      %add3A_741 = arith.constant 1792 : i32
      %add3A_742 = vector.broadcast %add3A_741 : i32 to vector<16xi32>
      %add3A_743 = arith.addi %add3A_742, %mul3A_740 : vector<16xi32>
      %add3A_744 = arith.addi %add3A_743, %get3A_737 : vector<16xi32>
      %ne3A_745 = arith.cmpi ne, %get3A_733, %get3A_737 : vector<16xi32>
      tpu.vector_store_idx %arg7[%add3A_744], %broadcast_in_dim3A_5 masked %ne3A_745 {add = true} : memref<2048xf32, #tpu.memory_space<vmem>>[vector<16xi32>], vector<16xf32>, vector<16xi1>
      %get3A_746 = arith.constant 7 : i32
      %get3A_747 = arith.index_cast %get3A_746 : i32 to index
      %get3A_748 = arith.constant 16 : index
      %get3A_749 = tpu.vector_load %arg5[%get3A_747, %get3A_748] {strides = array<i32>} : memref<8x64xi32, #tpu.memory_space<vmem>>, vector<16xi32>,
      %get3A_750 = arith.constant 7 : i32
      %get3A_751 = arith.index_cast %get3A_750 : i32 to index
      %get3A_752 = arith.constant 16 : index
      %get3A_753 = tpu.vector_load %arg6[%get3A_751, %get3A_752] {strides = array<i32>} : memref<8x64xi32, #tpu.memory_space<vmem>>, vector<16xi32>,
      %mul3A_754 = arith.constant 16 : i32
      %mul3A_755 = vector.broadcast %mul3A_754 : i32 to vector<16xi32>
      %mul3A_756 = arith.muli %get3A_749, %mul3A_755 : vector<16xi32>
      %add3A_757 = arith.constant 1792 : i32
      %add3A_758 = vector.broadcast %add3A_757 : i32 to vector<16xi32>
      %add3A_759 = arith.addi %add3A_758, %mul3A_756 : vector<16xi32>
      %add3A_760 = arith.addi %add3A_759, %get3A_753 : vector<16xi32>
      %ne3A_761 = arith.cmpi ne, %get3A_749, %get3A_753 : vector<16xi32>
      tpu.vector_store_idx %arg7[%add3A_760], %broadcast_in_dim3A_5 masked %ne3A_761 {add = true} : memref<2048xf32, #tpu.memory_space<vmem>>[vector<16xi32>], vector<16xf32>, vector<16xi1>
      %get3A_762 = arith.constant 7 : i32
      %get3A_763 = arith.index_cast %get3A_762 : i32 to index
      %get3A_764 = arith.constant 32 : index
      %get3A_765 = tpu.vector_load %arg5[%get3A_763, %get3A_764] {strides = array<i32>} : memref<8x64xi32, #tpu.memory_space<vmem>>, vector<16xi32>,
      %get3A_766 = arith.constant 7 : i32
      %get3A_767 = arith.index_cast %get3A_766 : i32 to index
      %get3A_768 = arith.constant 32 : index
      %get3A_769 = tpu.vector_load %arg6[%get3A_767, %get3A_768] {strides = array<i32>} : memref<8x64xi32, #tpu.memory_space<vmem>>, vector<16xi32>,
      %mul3A_770 = arith.constant 16 : i32
      %mul3A_771 = vector.broadcast %mul3A_770 : i32 to vector<16xi32>
      %mul3A_772 = arith.muli %get3A_765, %mul3A_771 : vector<16xi32>
      %add3A_773 = arith.constant 1792 : i32
      %add3A_774 = vector.broadcast %add3A_773 : i32 to vector<16xi32>
      %add3A_775 = arith.addi %add3A_774, %mul3A_772 : vector<16xi32>
      %add3A_776 = arith.addi %add3A_775, %get3A_769 : vector<16xi32>
      %ne3A_777 = arith.cmpi ne, %get3A_765, %get3A_769 : vector<16xi32>
      tpu.vector_store_idx %arg7[%add3A_776], %broadcast_in_dim3A_5 masked %ne3A_777 {add = true} : memref<2048xf32, #tpu.memory_space<vmem>>[vector<16xi32>], vector<16xf32>, vector<16xi1>
      %get3A_778 = arith.constant 7 : i32
      %get3A_779 = arith.index_cast %get3A_778 : i32 to index
      %get3A_780 = arith.constant 48 : index
      %get3A_781 = tpu.vector_load %arg5[%get3A_779, %get3A_780] {strides = array<i32>} : memref<8x64xi32, #tpu.memory_space<vmem>>, vector<16xi32>,
      %get3A_782 = arith.constant 7 : i32
      %get3A_783 = arith.index_cast %get3A_782 : i32 to index
      %get3A_784 = arith.constant 48 : index
      %get3A_785 = tpu.vector_load %arg6[%get3A_783, %get3A_784] {strides = array<i32>} : memref<8x64xi32, #tpu.memory_space<vmem>>, vector<16xi32>,
      %mul3A_786 = arith.constant 16 : i32
      %mul3A_787 = vector.broadcast %mul3A_786 : i32 to vector<16xi32>
      %mul3A_788 = arith.muli %get3A_781, %mul3A_787 : vector<16xi32>
      %add3A_789 = arith.constant 1792 : i32
      %add3A_790 = vector.broadcast %add3A_789 : i32 to vector<16xi32>
      %add3A_791 = arith.addi %add3A_790, %mul3A_788 : vector<16xi32>
      %add3A_792 = arith.addi %add3A_791, %get3A_785 : vector<16xi32>
      %ne3A_793 = arith.cmpi ne, %get3A_781, %get3A_785 : vector<16xi32>
      tpu.vector_store_idx %arg7[%add3A_792], %broadcast_in_dim3A_5 masked %ne3A_793 {add = true} : memref<2048xf32, #tpu.memory_space<vmem>>[vector<16xi32>], vector<16xf32>, vector<16xi1>
      %add3A_794 = arith.constant 0 : i32
      %add3A_795 = arith.addi %add3A_14, %add3A_794 : i32
      %dma_start3A_796 = arith.constant 0 : i32
      %dma_start3A_797 = tpu.memref_slice %arg7[%dma_start3A_796] : memref<2048xf32, #tpu.memory_space<vmem>> -> memref<256xf32, #tpu.memory_space<vmem>>
      %dma_start3A_798 = arith.constant 0 : i32
      %dma_start3A_799 = tpu.memref_slice %arg4[%add3A_795, %dma_start3A_798] : memref<4096x256xf32, #tpu.memory_space<hbm>> -> memref<1x256xf32, #tpu.memory_space<hbm>>
      %dma_start3A_800 = tpu.memref_squeeze %dma_start3A_799 : memref<1x256xf32, #tpu.memory_space<hbm>> -> memref<256xf32, #tpu.memory_space<hbm>>
      %dma_start3A_801 = arith.constant 0 : i32
      %dma_start3A_802 = tpu.memref_slice %arg4[%add3A_795, %dma_start3A_801] : memref<4096x256xf32, #tpu.memory_space<hbm>> -> memref<1x256xf32, #tpu.memory_space<hbm>>
      %dma_start3A_803 = tpu.memref_squeeze %dma_start3A_802 : memref<1x256xf32, #tpu.memory_space<hbm>> -> memref<256xf32, #tpu.memory_space<hbm>>
      %dma_start3A_804 = arith.constant 0 : i32
      %dma_start3A_805 = tpu.memref_slice %arg7[%dma_start3A_804] : memref<2048xf32, #tpu.memory_space<vmem>> -> memref<256xf32, #tpu.memory_space<vmem>>
      tpu.enqueue_dma source(%dma_start3A_805 : memref<256xf32, #tpu.memory_space<vmem>>) target(%dma_start3A_803 : memref<256xf32, #tpu.memory_space<hbm>>) target_semaphore(%arg10 : memref<!tpu.dma_semaphore, #tpu.memory_space<semaphore_mem>>)
      %dma_wait3A_806 = arith.constant 0 : i32
      %dma_wait3A_807 = tpu.memref_slice %arg7[%dma_wait3A_806] : memref<2048xf32, #tpu.memory_space<vmem>> -> memref<256xf32, #tpu.memory_space<vmem>>
      %dma_wait3A_808 = arith.constant 0 : i32
      %dma_wait3A_809 = tpu.memref_slice %arg4[%add3A_795, %dma_wait3A_808] : memref<4096x256xf32, #tpu.memory_space<hbm>> -> memref<1x256xf32, #tpu.memory_space<hbm>>
      %dma_wait3A_810 = tpu.memref_squeeze %dma_wait3A_809 : memref<1x256xf32, #tpu.memory_space<hbm>> -> memref<256xf32, #tpu.memory_space<hbm>>
      %dma_wait3A_811 = arith.constant 0 : i32
      %dma_wait3A_812 = tpu.memref_slice %arg4[%add3A_795, %dma_wait3A_811] : memref<4096x256xf32, #tpu.memory_space<hbm>> -> memref<1x256xf32, #tpu.memory_space<hbm>>
      %dma_wait3A_813 = tpu.memref_squeeze %dma_wait3A_812 : memref<1x256xf32, #tpu.memory_space<hbm>> -> memref<256xf32, #tpu.memory_space<hbm>>
      %dma_wait3A_814 = arith.constant 0 : i32
      %dma_wait3A_815 = tpu.memref_slice %arg7[%dma_wait3A_814] : memref<2048xf32, #tpu.memory_space<vmem>> -> memref<256xf32, #tpu.memory_space<vmem>>
      tpu.wait_dma2 semaphore(%arg10 : memref<!tpu.dma_semaphore, #tpu.memory_space<semaphore_mem>>) src(%dma_wait3A_815 : memref<256xf32, #tpu.memory_space<vmem>>) dst(%dma_wait3A_813 : memref<256xf32, #tpu.memory_space<hbm>>)
      %add3A_816 = arith.constant 1 : i32
      %add3A_817 = arith.addi %add3A_14, %add3A_816 : i32
      %dma_start3A_818 = arith.constant 256 : i32
      %dma_start3A_819 = tpu.memref_slice %arg7[%dma_start3A_818] : memref<2048xf32, #tpu.memory_space<vmem>> -> memref<256xf32, #tpu.memory_space<vmem>>
      %dma_start3A_820 = arith.constant 0 : i32
      %dma_start3A_821 = tpu.memref_slice %arg4[%add3A_817, %dma_start3A_820] : memref<4096x256xf32, #tpu.memory_space<hbm>> -> memref<1x256xf32, #tpu.memory_space<hbm>>
      %dma_start3A_822 = tpu.memref_squeeze %dma_start3A_821 : memref<1x256xf32, #tpu.memory_space<hbm>> -> memref<256xf32, #tpu.memory_space<hbm>>
      %dma_start3A_823 = arith.constant 0 : i32
      %dma_start3A_824 = tpu.memref_slice %arg4[%add3A_817, %dma_start3A_823] : memref<4096x256xf32, #tpu.memory_space<hbm>> -> memref<1x256xf32, #tpu.memory_space<hbm>>
      %dma_start3A_825 = tpu.memref_squeeze %dma_start3A_824 : memref<1x256xf32, #tpu.memory_space<hbm>> -> memref<256xf32, #tpu.memory_space<hbm>>
      %dma_start3A_826 = arith.constant 256 : i32
      %dma_start3A_827 = tpu.memref_slice %arg7[%dma_start3A_826] : memref<2048xf32, #tpu.memory_space<vmem>> -> memref<256xf32, #tpu.memory_space<vmem>>
      tpu.enqueue_dma source(%dma_start3A_827 : memref<256xf32, #tpu.memory_space<vmem>>) target(%dma_start3A_825 : memref<256xf32, #tpu.memory_space<hbm>>) target_semaphore(%arg10 : memref<!tpu.dma_semaphore, #tpu.memory_space<semaphore_mem>>)
      %dma_wait3A_828 = arith.constant 256 : i32
      %dma_wait3A_829 = tpu.memref_slice %arg7[%dma_wait3A_828] : memref<2048xf32, #tpu.memory_space<vmem>> -> memref<256xf32, #tpu.memory_space<vmem>>
      %dma_wait3A_830 = arith.constant 0 : i32
      %dma_wait3A_831 = tpu.memref_slice %arg4[%add3A_817, %dma_wait3A_830] : memref<4096x256xf32, #tpu.memory_space<hbm>> -> memref<1x256xf32, #tpu.memory_space<hbm>>
      %dma_wait3A_832 = tpu.memref_squeeze %dma_wait3A_831 : memref<1x256xf32, #tpu.memory_space<hbm>> -> memref<256xf32, #tpu.memory_space<hbm>>
      %dma_wait3A_833 = arith.constant 0 : i32
      %dma_wait3A_834 = tpu.memref_slice %arg4[%add3A_817, %dma_wait3A_833] : memref<4096x256xf32, #tpu.memory_space<hbm>> -> memref<1x256xf32, #tpu.memory_space<hbm>>
      %dma_wait3A_835 = tpu.memref_squeeze %dma_wait3A_834 : memref<1x256xf32, #tpu.memory_space<hbm>> -> memref<256xf32, #tpu.memory_space<hbm>>
      %dma_wait3A_836 = arith.constant 256 : i32
      %dma_wait3A_837 = tpu.memref_slice %arg7[%dma_wait3A_836] : memref<2048xf32, #tpu.memory_space<vmem>> -> memref<256xf32, #tpu.memory_space<vmem>>
      tpu.wait_dma2 semaphore(%arg10 : memref<!tpu.dma_semaphore, #tpu.memory_space<semaphore_mem>>) src(%dma_wait3A_837 : memref<256xf32, #tpu.memory_space<vmem>>) dst(%dma_wait3A_835 : memref<256xf32, #tpu.memory_space<hbm>>)
      %add3A_838 = arith.constant 2 : i32
      %add3A_839 = arith.addi %add3A_14, %add3A_838 : i32
      %dma_start3A_840 = arith.constant 512 : i32
      %dma_start3A_841 = tpu.memref_slice %arg7[%dma_start3A_840] : memref<2048xf32, #tpu.memory_space<vmem>> -> memref<256xf32, #tpu.memory_space<vmem>>
      %dma_start3A_842 = arith.constant 0 : i32
      %dma_start3A_843 = tpu.memref_slice %arg4[%add3A_839, %dma_start3A_842] : memref<4096x256xf32, #tpu.memory_space<hbm>> -> memref<1x256xf32, #tpu.memory_space<hbm>>
      %dma_start3A_844 = tpu.memref_squeeze %dma_start3A_843 : memref<1x256xf32, #tpu.memory_space<hbm>> -> memref<256xf32, #tpu.memory_space<hbm>>
      %dma_start3A_845 = arith.constant 0 : i32
      %dma_start3A_846 = tpu.memref_slice %arg4[%add3A_839, %dma_start3A_845] : memref<4096x256xf32, #tpu.memory_space<hbm>> -> memref<1x256xf32, #tpu.memory_space<hbm>>
      %dma_start3A_847 = tpu.memref_squeeze %dma_start3A_846 : memref<1x256xf32, #tpu.memory_space<hbm>> -> memref<256xf32, #tpu.memory_space<hbm>>
      %dma_start3A_848 = arith.constant 512 : i32
      %dma_start3A_849 = tpu.memref_slice %arg7[%dma_start3A_848] : memref<2048xf32, #tpu.memory_space<vmem>> -> memref<256xf32, #tpu.memory_space<vmem>>
      tpu.enqueue_dma source(%dma_start3A_849 : memref<256xf32, #tpu.memory_space<vmem>>) target(%dma_start3A_847 : memref<256xf32, #tpu.memory_space<hbm>>) target_semaphore(%arg10 : memref<!tpu.dma_semaphore, #tpu.memory_space<semaphore_mem>>)
      %dma_wait3A_850 = arith.constant 512 : i32
      %dma_wait3A_851 = tpu.memref_slice %arg7[%dma_wait3A_850] : memref<2048xf32, #tpu.memory_space<vmem>> -> memref<256xf32, #tpu.memory_space<vmem>>
      %dma_wait3A_852 = arith.constant 0 : i32
      %dma_wait3A_853 = tpu.memref_slice %arg4[%add3A_839, %dma_wait3A_852] : memref<4096x256xf32, #tpu.memory_space<hbm>> -> memref<1x256xf32, #tpu.memory_space<hbm>>
      %dma_wait3A_854 = tpu.memref_squeeze %dma_wait3A_853 : memref<1x256xf32, #tpu.memory_space<hbm>> -> memref<256xf32, #tpu.memory_space<hbm>>
      %dma_wait3A_855 = arith.constant 0 : i32
      %dma_wait3A_856 = tpu.memref_slice %arg4[%add3A_839, %dma_wait3A_855] : memref<4096x256xf32, #tpu.memory_space<hbm>> -> memref<1x256xf32, #tpu.memory_space<hbm>>
      %dma_wait3A_857 = tpu.memref_squeeze %dma_wait3A_856 : memref<1x256xf32, #tpu.memory_space<hbm>> -> memref<256xf32, #tpu.memory_space<hbm>>
      %dma_wait3A_858 = arith.constant 512 : i32
      %dma_wait3A_859 = tpu.memref_slice %arg7[%dma_wait3A_858] : memref<2048xf32, #tpu.memory_space<vmem>> -> memref<256xf32, #tpu.memory_space<vmem>>
      tpu.wait_dma2 semaphore(%arg10 : memref<!tpu.dma_semaphore, #tpu.memory_space<semaphore_mem>>) src(%dma_wait3A_859 : memref<256xf32, #tpu.memory_space<vmem>>) dst(%dma_wait3A_857 : memref<256xf32, #tpu.memory_space<hbm>>)
      %add3A_860 = arith.constant 3 : i32
      %add3A_861 = arith.addi %add3A_14, %add3A_860 : i32
      %dma_start3A_862 = arith.constant 768 : i32
      %dma_start3A_863 = tpu.memref_slice %arg7[%dma_start3A_862] : memref<2048xf32, #tpu.memory_space<vmem>> -> memref<256xf32, #tpu.memory_space<vmem>>
      %dma_start3A_864 = arith.constant 0 : i32
      %dma_start3A_865 = tpu.memref_slice %arg4[%add3A_861, %dma_start3A_864] : memref<4096x256xf32, #tpu.memory_space<hbm>> -> memref<1x256xf32, #tpu.memory_space<hbm>>
      %dma_start3A_866 = tpu.memref_squeeze %dma_start3A_865 : memref<1x256xf32, #tpu.memory_space<hbm>> -> memref<256xf32, #tpu.memory_space<hbm>>
      %dma_start3A_867 = arith.constant 0 : i32
      %dma_start3A_868 = tpu.memref_slice %arg4[%add3A_861, %dma_start3A_867] : memref<4096x256xf32, #tpu.memory_space<hbm>> -> memref<1x256xf32, #tpu.memory_space<hbm>>
      %dma_start3A_869 = tpu.memref_squeeze %dma_start3A_868 : memref<1x256xf32, #tpu.memory_space<hbm>> -> memref<256xf32, #tpu.memory_space<hbm>>
      %dma_start3A_870 = arith.constant 768 : i32
      %dma_start3A_871 = tpu.memref_slice %arg7[%dma_start3A_870] : memref<2048xf32, #tpu.memory_space<vmem>> -> memref<256xf32, #tpu.memory_space<vmem>>
      tpu.enqueue_dma source(%dma_start3A_871 : memref<256xf32, #tpu.memory_space<vmem>>) target(%dma_start3A_869 : memref<256xf32, #tpu.memory_space<hbm>>) target_semaphore(%arg10 : memref<!tpu.dma_semaphore, #tpu.memory_space<semaphore_mem>>)
      %dma_wait3A_872 = arith.constant 768 : i32
      %dma_wait3A_873 = tpu.memref_slice %arg7[%dma_wait3A_872] : memref<2048xf32, #tpu.memory_space<vmem>> -> memref<256xf32, #tpu.memory_space<vmem>>
      %dma_wait3A_874 = arith.constant 0 : i32
      %dma_wait3A_875 = tpu.memref_slice %arg4[%add3A_861, %dma_wait3A_874] : memref<4096x256xf32, #tpu.memory_space<hbm>> -> memref<1x256xf32, #tpu.memory_space<hbm>>
      %dma_wait3A_876 = tpu.memref_squeeze %dma_wait3A_875 : memref<1x256xf32, #tpu.memory_space<hbm>> -> memref<256xf32, #tpu.memory_space<hbm>>
      %dma_wait3A_877 = arith.constant 0 : i32
      %dma_wait3A_878 = tpu.memref_slice %arg4[%add3A_861, %dma_wait3A_877] : memref<4096x256xf32, #tpu.memory_space<hbm>> -> memref<1x256xf32, #tpu.memory_space<hbm>>
      %dma_wait3A_879 = tpu.memref_squeeze %dma_wait3A_878 : memref<1x256xf32, #tpu.memory_space<hbm>> -> memref<256xf32, #tpu.memory_space<hbm>>
      %dma_wait3A_880 = arith.constant 768 : i32
      %dma_wait3A_881 = tpu.memref_slice %arg7[%dma_wait3A_880] : memref<2048xf32, #tpu.memory_space<vmem>> -> memref<256xf32, #tpu.memory_space<vmem>>
      tpu.wait_dma2 semaphore(%arg10 : memref<!tpu.dma_semaphore, #tpu.memory_space<semaphore_mem>>) src(%dma_wait3A_881 : memref<256xf32, #tpu.memory_space<vmem>>) dst(%dma_wait3A_879 : memref<256xf32, #tpu.memory_space<hbm>>)
      %add3A_882 = arith.constant 4 : i32
      %add3A_883 = arith.addi %add3A_14, %add3A_882 : i32
      %dma_start3A_884 = arith.constant 1024 : i32
      %dma_start3A_885 = tpu.memref_slice %arg7[%dma_start3A_884] : memref<2048xf32, #tpu.memory_space<vmem>> -> memref<256xf32, #tpu.memory_space<vmem>>
      %dma_start3A_886 = arith.constant 0 : i32
      %dma_start3A_887 = tpu.memref_slice %arg4[%add3A_883, %dma_start3A_886] : memref<4096x256xf32, #tpu.memory_space<hbm>> -> memref<1x256xf32, #tpu.memory_space<hbm>>
      %dma_start3A_888 = tpu.memref_squeeze %dma_start3A_887 : memref<1x256xf32, #tpu.memory_space<hbm>> -> memref<256xf32, #tpu.memory_space<hbm>>
      %dma_start3A_889 = arith.constant 0 : i32
      %dma_start3A_890 = tpu.memref_slice %arg4[%add3A_883, %dma_start3A_889] : memref<4096x256xf32, #tpu.memory_space<hbm>> -> memref<1x256xf32, #tpu.memory_space<hbm>>
      %dma_start3A_891 = tpu.memref_squeeze %dma_start3A_890 : memref<1x256xf32, #tpu.memory_space<hbm>> -> memref<256xf32, #tpu.memory_space<hbm>>
      %dma_start3A_892 = arith.constant 1024 : i32
      %dma_start3A_893 = tpu.memref_slice %arg7[%dma_start3A_892] : memref<2048xf32, #tpu.memory_space<vmem>> -> memref<256xf32, #tpu.memory_space<vmem>>
      tpu.enqueue_dma source(%dma_start3A_893 : memref<256xf32, #tpu.memory_space<vmem>>) target(%dma_start3A_891 : memref<256xf32, #tpu.memory_space<hbm>>) target_semaphore(%arg10 : memref<!tpu.dma_semaphore, #tpu.memory_space<semaphore_mem>>)
      %dma_wait3A_894 = arith.constant 1024 : i32
      %dma_wait3A_895 = tpu.memref_slice %arg7[%dma_wait3A_894] : memref<2048xf32, #tpu.memory_space<vmem>> -> memref<256xf32, #tpu.memory_space<vmem>>
      %dma_wait3A_896 = arith.constant 0 : i32
      %dma_wait3A_897 = tpu.memref_slice %arg4[%add3A_883, %dma_wait3A_896] : memref<4096x256xf32, #tpu.memory_space<hbm>> -> memref<1x256xf32, #tpu.memory_space<hbm>>
      %dma_wait3A_898 = tpu.memref_squeeze %dma_wait3A_897 : memref<1x256xf32, #tpu.memory_space<hbm>> -> memref<256xf32, #tpu.memory_space<hbm>>
      %dma_wait3A_899 = arith.constant 0 : i32
      %dma_wait3A_900 = tpu.memref_slice %arg4[%add3A_883, %dma_wait3A_899] : memref<4096x256xf32, #tpu.memory_space<hbm>> -> memref<1x256xf32, #tpu.memory_space<hbm>>
      %dma_wait3A_901 = tpu.memref_squeeze %dma_wait3A_900 : memref<1x256xf32, #tpu.memory_space<hbm>> -> memref<256xf32, #tpu.memory_space<hbm>>
      %dma_wait3A_902 = arith.constant 1024 : i32
      %dma_wait3A_903 = tpu.memref_slice %arg7[%dma_wait3A_902] : memref<2048xf32, #tpu.memory_space<vmem>> -> memref<256xf32, #tpu.memory_space<vmem>>
      tpu.wait_dma2 semaphore(%arg10 : memref<!tpu.dma_semaphore, #tpu.memory_space<semaphore_mem>>) src(%dma_wait3A_903 : memref<256xf32, #tpu.memory_space<vmem>>) dst(%dma_wait3A_901 : memref<256xf32, #tpu.memory_space<hbm>>)
      %add3A_904 = arith.constant 5 : i32
      %add3A_905 = arith.addi %add3A_14, %add3A_904 : i32
      %dma_start3A_906 = arith.constant 1280 : i32
      %dma_start3A_907 = tpu.memref_slice %arg7[%dma_start3A_906] : memref<2048xf32, #tpu.memory_space<vmem>> -> memref<256xf32, #tpu.memory_space<vmem>>
      %dma_start3A_908 = arith.constant 0 : i32
      %dma_start3A_909 = tpu.memref_slice %arg4[%add3A_905, %dma_start3A_908] : memref<4096x256xf32, #tpu.memory_space<hbm>> -> memref<1x256xf32, #tpu.memory_space<hbm>>
      %dma_start3A_910 = tpu.memref_squeeze %dma_start3A_909 : memref<1x256xf32, #tpu.memory_space<hbm>> -> memref<256xf32, #tpu.memory_space<hbm>>
      %dma_start3A_911 = arith.constant 0 : i32
      %dma_start3A_912 = tpu.memref_slice %arg4[%add3A_905, %dma_start3A_911] : memref<4096x256xf32, #tpu.memory_space<hbm>> -> memref<1x256xf32, #tpu.memory_space<hbm>>
      %dma_start3A_913 = tpu.memref_squeeze %dma_start3A_912 : memref<1x256xf32, #tpu.memory_space<hbm>> -> memref<256xf32, #tpu.memory_space<hbm>>
      %dma_start3A_914 = arith.constant 1280 : i32
      %dma_start3A_915 = tpu.memref_slice %arg7[%dma_start3A_914] : memref<2048xf32, #tpu.memory_space<vmem>> -> memref<256xf32, #tpu.memory_space<vmem>>
      tpu.enqueue_dma source(%dma_start3A_915 : memref<256xf32, #tpu.memory_space<vmem>>) target(%dma_start3A_913 : memref<256xf32, #tpu.memory_space<hbm>>) target_semaphore(%arg10 : memref<!tpu.dma_semaphore, #tpu.memory_space<semaphore_mem>>)
      %dma_wait3A_916 = arith.constant 1280 : i32
      %dma_wait3A_917 = tpu.memref_slice %arg7[%dma_wait3A_916] : memref<2048xf32, #tpu.memory_space<vmem>> -> memref<256xf32, #tpu.memory_space<vmem>>
      %dma_wait3A_918 = arith.constant 0 : i32
      %dma_wait3A_919 = tpu.memref_slice %arg4[%add3A_905, %dma_wait3A_918] : memref<4096x256xf32, #tpu.memory_space<hbm>> -> memref<1x256xf32, #tpu.memory_space<hbm>>
      %dma_wait3A_920 = tpu.memref_squeeze %dma_wait3A_919 : memref<1x256xf32, #tpu.memory_space<hbm>> -> memref<256xf32, #tpu.memory_space<hbm>>
      %dma_wait3A_921 = arith.constant 0 : i32
      %dma_wait3A_922 = tpu.memref_slice %arg4[%add3A_905, %dma_wait3A_921] : memref<4096x256xf32, #tpu.memory_space<hbm>> -> memref<1x256xf32, #tpu.memory_space<hbm>>
      %dma_wait3A_923 = tpu.memref_squeeze %dma_wait3A_922 : memref<1x256xf32, #tpu.memory_space<hbm>> -> memref<256xf32, #tpu.memory_space<hbm>>
      %dma_wait3A_924 = arith.constant 1280 : i32
      %dma_wait3A_925 = tpu.memref_slice %arg7[%dma_wait3A_924] : memref<2048xf32, #tpu.memory_space<vmem>> -> memref<256xf32, #tpu.memory_space<vmem>>
      tpu.wait_dma2 semaphore(%arg10 : memref<!tpu.dma_semaphore, #tpu.memory_space<semaphore_mem>>) src(%dma_wait3A_925 : memref<256xf32, #tpu.memory_space<vmem>>) dst(%dma_wait3A_923 : memref<256xf32, #tpu.memory_space<hbm>>)
      %add3A_926 = arith.constant 6 : i32
      %add3A_927 = arith.addi %add3A_14, %add3A_926 : i32
      %dma_start3A_928 = arith.constant 1536 : i32
      %dma_start3A_929 = tpu.memref_slice %arg7[%dma_start3A_928] : memref<2048xf32, #tpu.memory_space<vmem>> -> memref<256xf32, #tpu.memory_space<vmem>>
      %dma_start3A_930 = arith.constant 0 : i32
      %dma_start3A_931 = tpu.memref_slice %arg4[%add3A_927, %dma_start3A_930] : memref<4096x256xf32, #tpu.memory_space<hbm>> -> memref<1x256xf32, #tpu.memory_space<hbm>>
      %dma_start3A_932 = tpu.memref_squeeze %dma_start3A_931 : memref<1x256xf32, #tpu.memory_space<hbm>> -> memref<256xf32, #tpu.memory_space<hbm>>
      %dma_start3A_933 = arith.constant 0 : i32
      %dma_start3A_934 = tpu.memref_slice %arg4[%add3A_927, %dma_start3A_933] : memref<4096x256xf32, #tpu.memory_space<hbm>> -> memref<1x256xf32, #tpu.memory_space<hbm>>
      %dma_start3A_935 = tpu.memref_squeeze %dma_start3A_934 : memref<1x256xf32, #tpu.memory_space<hbm>> -> memref<256xf32, #tpu.memory_space<hbm>>
      %dma_start3A_936 = arith.constant 1536 : i32
      %dma_start3A_937 = tpu.memref_slice %arg7[%dma_start3A_936] : memref<2048xf32, #tpu.memory_space<vmem>> -> memref<256xf32, #tpu.memory_space<vmem>>
      tpu.enqueue_dma source(%dma_start3A_937 : memref<256xf32, #tpu.memory_space<vmem>>) target(%dma_start3A_935 : memref<256xf32, #tpu.memory_space<hbm>>) target_semaphore(%arg10 : memref<!tpu.dma_semaphore, #tpu.memory_space<semaphore_mem>>)
      %dma_wait3A_938 = arith.constant 1536 : i32
      %dma_wait3A_939 = tpu.memref_slice %arg7[%dma_wait3A_938] : memref<2048xf32, #tpu.memory_space<vmem>> -> memref<256xf32, #tpu.memory_space<vmem>>
      %dma_wait3A_940 = arith.constant 0 : i32
      %dma_wait3A_941 = tpu.memref_slice %arg4[%add3A_927, %dma_wait3A_940] : memref<4096x256xf32, #tpu.memory_space<hbm>> -> memref<1x256xf32, #tpu.memory_space<hbm>>
      %dma_wait3A_942 = tpu.memref_squeeze %dma_wait3A_941 : memref<1x256xf32, #tpu.memory_space<hbm>> -> memref<256xf32, #tpu.memory_space<hbm>>
      %dma_wait3A_943 = arith.constant 0 : i32
      %dma_wait3A_944 = tpu.memref_slice %arg4[%add3A_927, %dma_wait3A_943] : memref<4096x256xf32, #tpu.memory_space<hbm>> -> memref<1x256xf32, #tpu.memory_space<hbm>>
      %dma_wait3A_945 = tpu.memref_squeeze %dma_wait3A_944 : memref<1x256xf32, #tpu.memory_space<hbm>> -> memref<256xf32, #tpu.memory_space<hbm>>
      %dma_wait3A_946 = arith.constant 1536 : i32
      %dma_wait3A_947 = tpu.memref_slice %arg7[%dma_wait3A_946] : memref<2048xf32, #tpu.memory_space<vmem>> -> memref<256xf32, #tpu.memory_space<vmem>>
      tpu.wait_dma2 semaphore(%arg10 : memref<!tpu.dma_semaphore, #tpu.memory_space<semaphore_mem>>) src(%dma_wait3A_947 : memref<256xf32, #tpu.memory_space<vmem>>) dst(%dma_wait3A_945 : memref<256xf32, #tpu.memory_space<hbm>>)
      %add3A_948 = arith.constant 7 : i32
      %add3A_949 = arith.addi %add3A_14, %add3A_948 : i32
      %dma_start3A_950 = arith.constant 1792 : i32
      %dma_start3A_951 = tpu.memref_slice %arg7[%dma_start3A_950] : memref<2048xf32, #tpu.memory_space<vmem>> -> memref<256xf32, #tpu.memory_space<vmem>>
      %dma_start3A_952 = arith.constant 0 : i32
      %dma_start3A_953 = tpu.memref_slice %arg4[%add3A_949, %dma_start3A_952] : memref<4096x256xf32, #tpu.memory_space<hbm>> -> memref<1x256xf32, #tpu.memory_space<hbm>>
      %dma_start3A_954 = tpu.memref_squeeze %dma_start3A_953 : memref<1x256xf32, #tpu.memory_space<hbm>> -> memref<256xf32, #tpu.memory_space<hbm>>
      %dma_start3A_955 = arith.constant 0 : i32
      %dma_start3A_956 = tpu.memref_slice %arg4[%add3A_949, %dma_start3A_955] : memref<4096x256xf32, #tpu.memory_space<hbm>> -> memref<1x256xf32, #tpu.memory_space<hbm>>
      %dma_start3A_957 = tpu.memref_squeeze %dma_start3A_956 : memref<1x256xf32, #tpu.memory_space<hbm>> -> memref<256xf32, #tpu.memory_space<hbm>>
      %dma_start3A_958 = arith.constant 1792 : i32
      %dma_start3A_959 = tpu.memref_slice %arg7[%dma_start3A_958] : memref<2048xf32, #tpu.memory_space<vmem>> -> memref<256xf32, #tpu.memory_space<vmem>>
      tpu.enqueue_dma source(%dma_start3A_959 : memref<256xf32, #tpu.memory_space<vmem>>) target(%dma_start3A_957 : memref<256xf32, #tpu.memory_space<hbm>>) target_semaphore(%arg10 : memref<!tpu.dma_semaphore, #tpu.memory_space<semaphore_mem>>)
      %dma_wait3A_960 = arith.constant 1792 : i32
      %dma_wait3A_961 = tpu.memref_slice %arg7[%dma_wait3A_960] : memref<2048xf32, #tpu.memory_space<vmem>> -> memref<256xf32, #tpu.memory_space<vmem>>
      %dma_wait3A_962 = arith.constant 0 : i32
      %dma_wait3A_963 = tpu.memref_slice %arg4[%add3A_949, %dma_wait3A_962] : memref<4096x256xf32, #tpu.memory_space<hbm>> -> memref<1x256xf32, #tpu.memory_space<hbm>>
      %dma_wait3A_964 = tpu.memref_squeeze %dma_wait3A_963 : memref<1x256xf32, #tpu.memory_space<hbm>> -> memref<256xf32, #tpu.memory_space<hbm>>
      %dma_wait3A_965 = arith.constant 0 : i32
      %dma_wait3A_966 = tpu.memref_slice %arg4[%add3A_949, %dma_wait3A_965] : memref<4096x256xf32, #tpu.memory_space<hbm>> -> memref<1x256xf32, #tpu.memory_space<hbm>>
      %dma_wait3A_967 = tpu.memref_squeeze %dma_wait3A_966 : memref<1x256xf32, #tpu.memory_space<hbm>> -> memref<256xf32, #tpu.memory_space<hbm>>
      %dma_wait3A_968 = arith.constant 1792 : i32
      %dma_wait3A_969 = tpu.memref_slice %arg7[%dma_wait3A_968] : memref<2048xf32, #tpu.memory_space<vmem>> -> memref<256xf32, #tpu.memory_space<vmem>>
      tpu.wait_dma2 semaphore(%arg10 : memref<!tpu.dma_semaphore, #tpu.memory_space<semaphore_mem>>) src(%dma_wait3A_969 : memref<256xf32, #tpu.memory_space<vmem>>) dst(%dma_wait3A_967 : memref<256xf32, #tpu.memory_space<hbm>>)
    }
    %scan3A_10 = arith.constant 16 : i32
    return
  }
}

module attributes {stable_mosaic.version = 14 : i64} {
  func.func @_tc_body(%arg0: i32, %arg1: memref<128x14x128xf32, #tpu.memory_space<vmem>>, %arg2: memref<128x256xf32, #tpu.memory_space<vmem>>, %arg3: memref<128x128xf32, #tpu.memory_space<vmem>>, %arg4: memref<128x2xf32, #tpu.memory_space<vmem>>, %arg5: memref<1x128xf32, #tpu.memory_space<vmem>>, %arg6: memref<128x128xf32, #tpu.memory_space<vmem>>, %arg7: memref<128x2xf32, #tpu.memory_space<vmem>>, %arg8: memref<1x128xf32, #tpu.memory_space<vmem>>, %arg9: memref<1792x64xf32, #tpu.memory_space<vmem>>, %arg10: memref<1x64xf32, #tpu.memory_space<vmem>>, %arg11: memref<64x1xf32, #tpu.memory_space<vmem>>, %arg12: memref<1x1xf32, #tpu.memory_space<vmem>>, %arg13: memref<128x1xf32, #tpu.memory_space<vmem>>, %arg14: memref<128x14x14xf32, #tpu.memory_space<vmem>>) attributes {dimension_semantics = [#tpu.dimension_semantics<arbitrary>], iteration_bounds = array<i64: 32>, scalar_prefetch = 0 : i64, scratch_operands = 0 : i64, tpu.core_type = #tpu.core_type<tc>, window_params = [{transform_indices = @transform_0, window_bounds = array<i64: 128, 14, 128>}, {transform_indices = @transform_1, window_bounds = array<i64: 128, 256>}, {pipeline_mode = #tpu.pipeline_mode<synchronous>, transform_indices = @transform_2, window_bounds = array<i64: 128, 128>}, {pipeline_mode = #tpu.pipeline_mode<synchronous>, transform_indices = @transform_3, window_bounds = array<i64: 128, 2>}, {pipeline_mode = #tpu.pipeline_mode<synchronous>, transform_indices = @transform_4, window_bounds = array<i64: 1, 128>}, {pipeline_mode = #tpu.pipeline_mode<synchronous>, transform_indices = @transform_5, window_bounds = array<i64: 128, 128>}, {pipeline_mode = #tpu.pipeline_mode<synchronous>, transform_indices = @transform_6, window_bounds = array<i64: 128, 2>}, {pipeline_mode = #tpu.pipeline_mode<synchronous>, transform_indices = @transform_7, window_bounds = array<i64: 1, 128>}, {pipeline_mode = #tpu.pipeline_mode<synchronous>, transform_indices = @transform_8, window_bounds = array<i64: 1792, 64>}, {pipeline_mode = #tpu.pipeline_mode<synchronous>, transform_indices = @transform_9, window_bounds = array<i64: 1, 64>}, {pipeline_mode = #tpu.pipeline_mode<synchronous>, transform_indices = @transform_10, window_bounds = array<i64: 64, 1>}, {pipeline_mode = #tpu.pipeline_mode<synchronous>, transform_indices = @transform_11, window_bounds = array<i64: 1, 1>}, {transform_indices = @transform_12, window_bounds = array<i64: 128, 1>}, {transform_indices = @transform_13, window_bounds = array<i64: 128, 14, 14>}]} {
    %iota3A = tpu.iota {dimensions = array<i32: 0>} : vector<16x16xi32>
    %iota3A_0 = tpu.iota {dimensions = array<i32: 1>} : vector<16x16xi32>
    %eq3A = arith.cmpi eq, %iota3A, %iota3A_0 : vector<16x16xi32>
    %lt3A = arith.constant 14 : i32
    %lt3A_1 = vector.broadcast %lt3A : i32 to vector<16x16xi32>
    %lt3A_2 = arith.cmpi slt, %iota3A, %lt3A_1 : vector<16x16xi32>
    %and3A = arith.andi %eq3A, %lt3A_2 : vector<16x16xi1>
    %jit3A = arith.constant 1.000000e+00 : f32
    %jit3A_3 = arith.constant 0.000000e+00 : f32
    %broadcast_in_dim3A = vector.broadcast %jit3A : f32 to vector<16x16xf32>
    %broadcast_in_dim3A_4 = vector.broadcast %jit3A_3 : f32 to vector<16x16xf32>
    %select_n3A = arith.select %and3A, %broadcast_in_dim3A, %broadcast_in_dim3A_4 : vector<16x16xi1>, vector<16x16xf32>
    %get3A = arith.constant 0 : index
    %get3A_5 = arith.constant 0 : index
    %get3A_6 = vector.load %arg2[%get3A, %get3A_5] : memref<128x256xf32, #tpu.memory_space<vmem>>, vector<128x256xf32>
    %reshape3A = vector.shape_cast %get3A_6 : vector<128x256xf32> to vector<128x16x16xf32>
    %broadcast_in_dim3A_7 = vector.shape_cast %select_n3A : vector<16x16xf32> to vector<1x16x16xf32>
    %add3A = vector.broadcast %broadcast_in_dim3A_7 : vector<1x16x16xf32> to vector<128x16x16xf32>
    %add3A_8 = arith.addf %reshape3A, %add3A : vector<128x16x16xf32>
    %slice3A = vector.extract_strided_slice %add3A_8 {offsets = [0, 0, 0], sizes = [128, 14, 14], strides = [1, 1, 1]} : vector<128x16x16xf32> to vector<128x14x14xf32>
    %gt3A = arith.constant 0.000000e+00 : f32
    %gt3A_9 = vector.broadcast %gt3A : f32 to vector<128x14x14xf32>
    %gt3A_10 = arith.cmpf ogt, %slice3A, %gt3A_9 : vector<128x14x14xf32>
    %get3A_11 = arith.constant 0 : index
    %get3A_12 = arith.constant 0 : index
    %get3A_13 = arith.constant 0 : index
    %get3A_14 = vector.load %arg1[%get3A_11, %get3A_12, %get3A_13] : memref<128x14x128xf32, #tpu.memory_space<vmem>>, vector<128x14x128xf32>
    %reshape3A_15 = vector.shape_cast %get3A_14 : vector<128x14x128xf32> to vector<1792x128xf32>
    %get3A_16 = arith.constant 0 : index
    %get3A_17 = arith.constant 0 : index
    %get3A_18 = vector.load %arg3[%get3A_16, %get3A_17] : memref<128x128xf32, #tpu.memory_space<vmem>>, vector<128x128xf32>
    %dot_general3A = arith.constant dense<0.000000e+00> : vector<1792x128xf32>
    %dot_general3A_19 = tpu.matmul %reshape3A_15, %get3A_18, %dot_general3A {dimension_numbers = #tpu.dot_dimension_numbers<[1], [0], [0], [1], [0, 0, 1, 1], [], []>, precision = #tpu.contract_precision<fp32>, transpose_lhs_hint = false} : vector<1792x128xf32>, vector<128x128xf32>, vector<1792x128xf32> -> vector<1792x128xf32>
    %get3A_20 = arith.constant 0 : index
    %get3A_21 = arith.constant 0 : index
    %get3A_22 = vector.load %arg4[%get3A_20, %get3A_21] : memref<128x2xf32, #tpu.memory_space<vmem>>, vector<128x2xf32>
    %dot_general3A_23 = arith.constant dense<0.000000e+00> : vector<1792x2xf32>
    %dot_general3A_24 = tpu.matmul %dot_general3A_19, %get3A_22, %dot_general3A_23 {dimension_numbers = #tpu.dot_dimension_numbers<[1], [0], [0], [1], [0, 0, 1, 1], [], []>, precision = #tpu.contract_precision<fp32>, transpose_lhs_hint = false} : vector<1792x128xf32>, vector<128x2xf32>, vector<1792x2xf32> -> vector<1792x2xf32>
    %slice3A_25 = vector.extract_strided_slice %dot_general3A_24 {offsets = [0, 0], sizes = [1792, 1], strides = [1, 1]} : vector<1792x2xf32> to vector<1792x1xf32>
    %squeeze3A = vector.shape_cast %slice3A_25 : vector<1792x1xf32> to vector<1792xf32>
    %reshape3A_26 = vector.shape_cast %squeeze3A : vector<1792xf32> to vector<128x14x1xf32>
    %slice3A_27 = vector.extract_strided_slice %dot_general3A_24 {offsets = [0, 1], sizes = [1792, 1], strides = [1, 1]} : vector<1792x2xf32> to vector<1792x1xf32>
    %squeeze3A_28 = vector.shape_cast %slice3A_27 : vector<1792x1xf32> to vector<1792xf32>
    %reshape3A_29 = vector.shape_cast %squeeze3A_28 : vector<1792xf32> to vector<128x1x14xf32>
    %add3A_30 = vector.broadcast %reshape3A_26 : vector<128x14x1xf32> to vector<128x14x14xf32>
    %add3A_31 = vector.broadcast %reshape3A_29 : vector<128x1x14xf32> to vector<128x14x14xf32>
    %add3A_32 = arith.addf %add3A_30, %add3A_31 : vector<128x14x14xf32>
    %ge3A = arith.constant 0.000000e+00 : f32
    %ge3A_33 = vector.broadcast %ge3A : f32 to vector<128x14x14xf32>
    %ge3A_34 = arith.cmpf oge, %add3A_32, %ge3A_33 : vector<128x14x14xf32>
    %mul3A = arith.constant 2.000000e-01 : f32
    %mul3A_35 = vector.broadcast %mul3A : f32 to vector<128x14x14xf32>
    %mul3A_36 = arith.mulf %mul3A_35, %add3A_32 : vector<128x14x14xf32>
    %select_n3A_37 = arith.select %ge3A_34, %add3A_32, %mul3A_36 : vector<128x14x14xi1>, vector<128x14x14xf32>
    %jit3A_38 = arith.constant -1.000000e+30 : f32
    %broadcast_in_dim3A_39 = vector.broadcast %jit3A_38 : f32 to vector<128x14x14xf32>
    %select_n3A_40 = arith.select %gt3A_10, %select_n3A_37, %broadcast_in_dim3A_39 : vector<128x14x14xi1>, vector<128x14x14xf32>
    %reduce_max3A = arith.constant dense<0xFF800000> : vector<128x14xf32>
    %reduce_max3A_41 = vector.multi_reduction <maximumf>, %select_n3A_40, %reduce_max3A [1] : vector<128x14x14xf32> to vector<128x14xf32>
    %broadcast_in_dim3A_42 = vector.shape_cast %reduce_max3A_41 : vector<128x14xf32> to vector<128x1x14xf32>
    %sub3A = vector.broadcast %broadcast_in_dim3A_42 : vector<128x1x14xf32> to vector<128x14x14xf32>
    %sub3A_43 = arith.subf %select_n3A_37, %sub3A : vector<128x14x14xf32>
    %min3A = arith.constant 0.000000e+00 : f32
    %min3A_44 = vector.broadcast %min3A : f32 to vector<128x14x14xf32>
    %min3A_45 = arith.minimumf %sub3A_43, %min3A_44 : vector<128x14x14xf32>
    %exp3A = math.exp %min3A_45 : vector<128x14x14xf32>
    %mul3A_46 = arith.mulf %slice3A, %exp3A : vector<128x14x14xf32>
    %reduce_sum3A = arith.constant dense<0.000000e+00> : vector<128x14xf32>
    %reduce_sum3A_47 = vector.multi_reduction <add>, %mul3A_46, %reduce_sum3A [1] : vector<128x14x14xf32> to vector<128x14xf32>
    %broadcast_in_dim3A_48 = vector.shape_cast %reduce_sum3A_47 : vector<128x14xf32> to vector<128x1x14xf32>
    %max3A = arith.constant 1.000000e-30 : f32
    %max3A_49 = vector.broadcast %max3A : f32 to vector<128x1x14xf32>
    %max3A_50 = arith.maximumf %broadcast_in_dim3A_48, %max3A_49 : vector<128x1x14xf32>
    %div3A = vector.broadcast %max3A_50 : vector<128x1x14xf32> to vector<128x14x14xf32>
    %div3A_51 = arith.divf %mul3A_46, %div3A : vector<128x14x14xf32>
    %reshape3A_52 = vector.shape_cast %dot_general3A_19 : vector<1792x128xf32> to vector<128x14x128xf32>
    %dot_general3A_53 = arith.constant dense<0.000000e+00> : vector<128x14x128xf32>
    %dot_general3A_54 = tpu.matmul %div3A_51, %reshape3A_52, %dot_general3A_53 {dimension_numbers = #tpu.dot_dimension_numbers<[1], [1], [2], [2], [0, 0, 0, 2, 1, 2], [0], [0]>, precision = #tpu.contract_precision<fp32>, transpose_lhs_hint = false} : vector<128x14x14xf32>, vector<128x14x128xf32>, vector<128x14x128xf32> -> vector<128x14x128xf32>
    %reshape3A_55 = vector.shape_cast %dot_general3A_54 : vector<128x14x128xf32> to vector<1792x128xf32>
    %get3A_56 = arith.constant 0 : index
    %get3A_57 = arith.constant 0 : index
    %get3A_58 = vector.load %arg5[%get3A_56, %get3A_57] : memref<1x128xf32, #tpu.memory_space<vmem>>, vector<1x128xf32>
    %add3A_59 = vector.broadcast %get3A_58 : vector<1x128xf32> to vector<1792x128xf32>
    %add3A_60 = arith.addf %reshape3A_55, %add3A_59 : vector<1792x128xf32>
    %max3A_61 = arith.constant 0.000000e+00 : f32
    %max3A_62 = vector.broadcast %max3A_61 : f32 to vector<1792x128xf32>
    %max3A_63 = arith.maximumf %add3A_60, %max3A_62 : vector<1792x128xf32>
    %get3A_64 = arith.constant 0 : index
    %get3A_65 = arith.constant 0 : index
    %get3A_66 = vector.load %arg6[%get3A_64, %get3A_65] : memref<128x128xf32, #tpu.memory_space<vmem>>, vector<128x128xf32>
    %dot_general3A_67 = arith.constant dense<0.000000e+00> : vector<1792x128xf32>
    %dot_general3A_68 = tpu.matmul %max3A_63, %get3A_66, %dot_general3A_67 {dimension_numbers = #tpu.dot_dimension_numbers<[1], [0], [0], [1], [0, 0, 1, 1], [], []>, precision = #tpu.contract_precision<fp32>, transpose_lhs_hint = false} : vector<1792x128xf32>, vector<128x128xf32>, vector<1792x128xf32> -> vector<1792x128xf32>
    %get3A_69 = arith.constant 0 : index
    %get3A_70 = arith.constant 0 : index
    %get3A_71 = vector.load %arg7[%get3A_69, %get3A_70] : memref<128x2xf32, #tpu.memory_space<vmem>>, vector<128x2xf32>
    %dot_general3A_72 = arith.constant dense<0.000000e+00> : vector<1792x2xf32>
    %dot_general3A_73 = tpu.matmul %dot_general3A_68, %get3A_71, %dot_general3A_72 {dimension_numbers = #tpu.dot_dimension_numbers<[1], [0], [0], [1], [0, 0, 1, 1], [], []>, precision = #tpu.contract_precision<fp32>, transpose_lhs_hint = false} : vector<1792x128xf32>, vector<128x2xf32>, vector<1792x2xf32> -> vector<1792x2xf32>
    %slice3A_74 = vector.extract_strided_slice %dot_general3A_73 {offsets = [0, 0], sizes = [1792, 1], strides = [1, 1]} : vector<1792x2xf32> to vector<1792x1xf32>
    %squeeze3A_75 = vector.shape_cast %slice3A_74 : vector<1792x1xf32> to vector<1792xf32>
    %reshape3A_76 = vector.shape_cast %squeeze3A_75 : vector<1792xf32> to vector<128x14x1xf32>
    %slice3A_77 = vector.extract_strided_slice %dot_general3A_73 {offsets = [0, 1], sizes = [1792, 1], strides = [1, 1]} : vector<1792x2xf32> to vector<1792x1xf32>
    %squeeze3A_78 = vector.shape_cast %slice3A_77 : vector<1792x1xf32> to vector<1792xf32>
    %reshape3A_79 = vector.shape_cast %squeeze3A_78 : vector<1792xf32> to vector<128x1x14xf32>
    %add3A_80 = vector.broadcast %reshape3A_76 : vector<128x14x1xf32> to vector<128x14x14xf32>
    %add3A_81 = vector.broadcast %reshape3A_79 : vector<128x1x14xf32> to vector<128x14x14xf32>
    %add3A_82 = arith.addf %add3A_80, %add3A_81 : vector<128x14x14xf32>
    %ge3A_83 = arith.constant 0.000000e+00 : f32
    %ge3A_84 = vector.broadcast %ge3A_83 : f32 to vector<128x14x14xf32>
    %ge3A_85 = arith.cmpf oge, %add3A_82, %ge3A_84 : vector<128x14x14xf32>
    %mul3A_86 = arith.constant 2.000000e-01 : f32
    %mul3A_87 = vector.broadcast %mul3A_86 : f32 to vector<128x14x14xf32>
    %mul3A_88 = arith.mulf %mul3A_87, %add3A_82 : vector<128x14x14xf32>
    %select_n3A_89 = arith.select %ge3A_85, %add3A_82, %mul3A_88 : vector<128x14x14xi1>, vector<128x14x14xf32>
    %jit3A_90 = arith.constant -1.000000e+30 : f32
    %broadcast_in_dim3A_91 = vector.broadcast %jit3A_90 : f32 to vector<128x14x14xf32>
    %select_n3A_92 = arith.select %gt3A_10, %select_n3A_89, %broadcast_in_dim3A_91 : vector<128x14x14xi1>, vector<128x14x14xf32>
    %reduce_max3A_93 = arith.constant dense<0xFF800000> : vector<128x14xf32>
    %reduce_max3A_94 = vector.multi_reduction <maximumf>, %select_n3A_92, %reduce_max3A_93 [1] : vector<128x14x14xf32> to vector<128x14xf32>
    %broadcast_in_dim3A_95 = vector.shape_cast %reduce_max3A_94 : vector<128x14xf32> to vector<128x1x14xf32>
    %sub3A_96 = vector.broadcast %broadcast_in_dim3A_95 : vector<128x1x14xf32> to vector<128x14x14xf32>
    %sub3A_97 = arith.subf %select_n3A_89, %sub3A_96 : vector<128x14x14xf32>
    %min3A_98 = arith.constant 0.000000e+00 : f32
    %min3A_99 = vector.broadcast %min3A_98 : f32 to vector<128x14x14xf32>
    %min3A_100 = arith.minimumf %sub3A_97, %min3A_99 : vector<128x14x14xf32>
    %exp3A_101 = math.exp %min3A_100 : vector<128x14x14xf32>
    %mul3A_102 = arith.mulf %slice3A, %exp3A_101 : vector<128x14x14xf32>
    %reduce_sum3A_103 = arith.constant dense<0.000000e+00> : vector<128x14xf32>
    %reduce_sum3A_104 = vector.multi_reduction <add>, %mul3A_102, %reduce_sum3A_103 [1] : vector<128x14x14xf32> to vector<128x14xf32>
    %broadcast_in_dim3A_105 = vector.shape_cast %reduce_sum3A_104 : vector<128x14xf32> to vector<128x1x14xf32>
    %max3A_106 = arith.constant 1.000000e-30 : f32
    %max3A_107 = vector.broadcast %max3A_106 : f32 to vector<128x1x14xf32>
    %max3A_108 = arith.maximumf %broadcast_in_dim3A_105, %max3A_107 : vector<128x1x14xf32>
    %div3A_109 = vector.broadcast %max3A_108 : vector<128x1x14xf32> to vector<128x14x14xf32>
    %div3A_110 = arith.divf %mul3A_102, %div3A_109 : vector<128x14x14xf32>
    %div3A_111 = vector.broadcast %max3A_108 : vector<128x1x14xf32> to vector<128x14x14xf32>
    %div3A_112 = arith.divf %exp3A_101, %div3A_111 : vector<128x14x14xf32>
    %jit3A_113 = arith.constant 0.000000e+00 : f32
    %broadcast_in_dim3A_114 = vector.broadcast %jit3A_113 : f32 to vector<128x14x14xf32>
    %select_n3A_115 = arith.select %gt3A_10, %div3A_112, %broadcast_in_dim3A_114 : vector<128x14x14xi1>, vector<128x14x14xf32>
    %reshape3A_116 = vector.shape_cast %dot_general3A_68 : vector<1792x128xf32> to vector<128x14x128xf32>
    %dot_general3A_117 = arith.constant dense<0.000000e+00> : vector<128x14x128xf32>
    %dot_general3A_118 = tpu.matmul %div3A_110, %reshape3A_116, %dot_general3A_117 {dimension_numbers = #tpu.dot_dimension_numbers<[1], [1], [2], [2], [0, 0, 0, 2, 1, 2], [0], [0]>, precision = #tpu.contract_precision<fp32>, transpose_lhs_hint = false} : vector<128x14x14xf32>, vector<128x14x128xf32>, vector<128x14x128xf32> -> vector<128x14x128xf32>
    %reshape3A_119 = vector.shape_cast %dot_general3A_118 : vector<128x14x128xf32> to vector<1792x128xf32>
    %get3A_120 = arith.constant 0 : index
    %get3A_121 = arith.constant 0 : index
    %get3A_122 = vector.load %arg8[%get3A_120, %get3A_121] : memref<1x128xf32, #tpu.memory_space<vmem>>, vector<1x128xf32>
    %add3A_123 = vector.broadcast %get3A_122 : vector<1x128xf32> to vector<1792x128xf32>
    %add3A_124 = arith.addf %reshape3A_119, %add3A_123 : vector<1792x128xf32>
    %swap3A = arith.constant 0 : index
    %swap3A_125 = arith.constant 0 : index
    %swap3A_126 = arith.constant 0 : index
    %swap3A_127 = vector.load %arg14[%swap3A, %swap3A_125, %swap3A_126] : memref<128x14x14xf32, #tpu.memory_space<vmem>>, vector<128x14x14xf32>
    tpu.vector_store %arg14[%swap3A, %swap3A_125, %swap3A_126], %select_n3A_115 {strides = array<i32>} : memref<128x14x14xf32, #tpu.memory_space<vmem>>, vector<128x14x14xf32>,
    %reshape3A_128 = vector.shape_cast %add3A_124 : vector<1792x128xf32> to vector<128x1792xf32>
    %get3A_129 = arith.constant 0 : index
    %get3A_130 = arith.constant 0 : index
    %get3A_131 = vector.load %arg9[%get3A_129, %get3A_130] : memref<1792x64xf32, #tpu.memory_space<vmem>>, vector<1792x64xf32>
    %dot_general3A_132 = arith.constant dense<0.000000e+00> : vector<128x64xf32>
    %dot_general3A_133 = tpu.matmul %reshape3A_128, %get3A_131, %dot_general3A_132 {dimension_numbers = #tpu.dot_dimension_numbers<[1], [0], [0], [1], [0, 0, 1, 1], [], []>, precision = #tpu.contract_precision<fp32>, transpose_lhs_hint = false} : vector<128x1792xf32>, vector<1792x64xf32>, vector<128x64xf32> -> vector<128x64xf32>
    %get3A_134 = arith.constant 0 : index
    %get3A_135 = arith.constant 0 : index
    %get3A_136 = vector.load %arg10[%get3A_134, %get3A_135] : memref<1x64xf32, #tpu.memory_space<vmem>>, vector<1x64xf32>
    %add3A_137 = vector.broadcast %get3A_136 : vector<1x64xf32> to vector<128x64xf32>
    %add3A_138 = arith.addf %dot_general3A_133, %add3A_137 : vector<128x64xf32>
    %get3A_139 = arith.constant 0 : index
    %get3A_140 = arith.constant 0 : index
    %get3A_141 = vector.load %arg11[%get3A_139, %get3A_140] : memref<64x1xf32, #tpu.memory_space<vmem>>, vector<64x1xf32>
    %dot_general3A_142 = arith.constant dense<0.000000e+00> : vector<128x1xf32>
    %dot_general3A_143 = tpu.matmul %add3A_138, %get3A_141, %dot_general3A_142 {dimension_numbers = #tpu.dot_dimension_numbers<[1], [0], [0], [1], [0, 0, 1, 1], [], []>, precision = #tpu.contract_precision<fp32>, transpose_lhs_hint = false} : vector<128x64xf32>, vector<64x1xf32>, vector<128x1xf32> -> vector<128x1xf32>
    %get3A_144 = arith.constant 0 : index
    %get3A_145 = arith.constant 0 : index
    %get3A_146 = vector.load %arg12[%get3A_144, %get3A_145] : memref<1x1xf32, #tpu.memory_space<vmem>>, vector<1x1xf32>
    %add3A_147 = vector.broadcast %get3A_146 : vector<1x1xf32> to vector<128x1xf32>
    %add3A_148 = arith.addf %dot_general3A_143, %add3A_147 : vector<128x1xf32>
    %neg3A = arith.constant 0.000000e+00 : f32
    %neg3A_149 = vector.broadcast %neg3A : f32 to vector<128x1xf32>
    %neg3A_150 = arith.subf %neg3A_149, %add3A_148 : vector<128x1xf32>
    %exp3A_151 = math.exp %neg3A_150 : vector<128x1xf32>
    %add3A_152 = arith.constant 1.000000e+00 : f32
    %add3A_153 = vector.broadcast %add3A_152 : f32 to vector<128x1xf32>
    %add3A_154 = arith.addf %add3A_153, %exp3A_151 : vector<128x1xf32>
    %div3A_155 = arith.constant 1.000000e+00 : f32
    %div3A_156 = vector.broadcast %div3A_155 : f32 to vector<128x1xf32>
    %div3A_157 = arith.divf %div3A_156, %add3A_154 : vector<128x1xf32>
    %swap3A_158 = arith.constant 0 : index
    %swap3A_159 = arith.constant 0 : index
    %swap3A_160 = vector.load %arg13[%swap3A_158, %swap3A_159] : memref<128x1xf32, #tpu.memory_space<vmem>>, vector<128x1xf32>
    tpu.vector_store %arg13[%swap3A_158, %swap3A_159], %div3A_157 {strides = array<i32>} : memref<128x1xf32, #tpu.memory_space<vmem>>, vector<128x1xf32>,
    return
  }
  func.func @transform_0(%arg0: i32) -> (i32, i32, i32) {
    %c0_i32 = arith.constant 0 : i32
    %c0_i32_0 = arith.constant 0 : i32
    %c0_i32_1 = arith.constant 0 : i32
    return %arg0, %c0_i32, %c0_i32_0 : i32, i32, i32
  }
  func.func @transform_1(%arg0: i32) -> (i32, i32) {
    %c0_i32 = arith.constant 0 : i32
    %c0_i32_0 = arith.constant 0 : i32
    return %arg0, %c0_i32 : i32, i32
  }
  func.func @transform_2(%arg0: i32) -> (i32, i32) {
    %c0_i32 = arith.constant 0 : i32
    %c0_i32_0 = arith.constant 0 : i32
    %c0_i32_1 = arith.constant 0 : i32
    return %c0_i32, %c0_i32_0 : i32, i32
  }
  func.func @transform_3(%arg0: i32) -> (i32, i32) {
    %c0_i32 = arith.constant 0 : i32
    %c0_i32_0 = arith.constant 0 : i32
    %c0_i32_1 = arith.constant 0 : i32
    return %c0_i32, %c0_i32_0 : i32, i32
  }
  func.func @transform_4(%arg0: i32) -> (i32, i32) {
    %c0_i32 = arith.constant 0 : i32
    %c0_i32_0 = arith.constant 0 : i32
    %c0_i32_1 = arith.constant 0 : i32
    return %c0_i32, %c0_i32_0 : i32, i32
  }
  func.func @transform_5(%arg0: i32) -> (i32, i32) {
    %c0_i32 = arith.constant 0 : i32
    %c0_i32_0 = arith.constant 0 : i32
    %c0_i32_1 = arith.constant 0 : i32
    return %c0_i32, %c0_i32_0 : i32, i32
  }
  func.func @transform_6(%arg0: i32) -> (i32, i32) {
    %c0_i32 = arith.constant 0 : i32
    %c0_i32_0 = arith.constant 0 : i32
    %c0_i32_1 = arith.constant 0 : i32
    return %c0_i32, %c0_i32_0 : i32, i32
  }
  func.func @transform_7(%arg0: i32) -> (i32, i32) {
    %c0_i32 = arith.constant 0 : i32
    %c0_i32_0 = arith.constant 0 : i32
    %c0_i32_1 = arith.constant 0 : i32
    return %c0_i32, %c0_i32_0 : i32, i32
  }
  func.func @transform_8(%arg0: i32) -> (i32, i32) {
    %c0_i32 = arith.constant 0 : i32
    %c0_i32_0 = arith.constant 0 : i32
    %c0_i32_1 = arith.constant 0 : i32
    return %c0_i32, %c0_i32_0 : i32, i32
  }
  func.func @transform_9(%arg0: i32) -> (i32, i32) {
    %c0_i32 = arith.constant 0 : i32
    %c0_i32_0 = arith.constant 0 : i32
    %c0_i32_1 = arith.constant 0 : i32
    return %c0_i32, %c0_i32_0 : i32, i32
  }
  func.func @transform_10(%arg0: i32) -> (i32, i32) {
    %c0_i32 = arith.constant 0 : i32
    %c0_i32_0 = arith.constant 0 : i32
    %c0_i32_1 = arith.constant 0 : i32
    return %c0_i32, %c0_i32_0 : i32, i32
  }
  func.func @transform_11(%arg0: i32) -> (i32, i32) {
    %c0_i32 = arith.constant 0 : i32
    %c0_i32_0 = arith.constant 0 : i32
    %c0_i32_1 = arith.constant 0 : i32
    return %c0_i32, %c0_i32_0 : i32, i32
  }
  func.func @transform_12(%arg0: i32) -> (i32, i32) {
    %c0_i32 = arith.constant 0 : i32
    %c0_i32_0 = arith.constant 0 : i32
    return %arg0, %c0_i32 : i32, i32
  }
  func.func @transform_13(%arg0: i32) -> (i32, i32, i32) {
    %c0_i32 = arith.constant 0 : i32
    %c0_i32_0 = arith.constant 0 : i32
    %c0_i32_1 = arith.constant 0 : i32
    return %arg0, %c0_i32, %c0_i32_0 : i32, i32, i32
  }
}

</mosaic_0001>

<sc_bundles>
// kernel: kernel.4.cloned.1.call-start
scs
__scs_entry_jumppad:
0x0: {  	(pc) =	sbr.rel $0x88, $3  }
0x1: {  	(tag) =	ssettag $0x0;
	lr =	simm.s32 $0x1  }
0x2: {  	[smem:$0x3F93] =	sst lr;
	_ =	strace $0xD0000000  }
0x3: {  	_ = 	snop  }
0x4: {  	_ = 	snop  }
0x5: {  	_ = 	snop  }
0x6: {  	_ = 	snop  }
0x7: {  	_ = 	snop  }
__scs_overlays_trampoline_lowered:
0x8: {  	[smem:$0x3FA2] =	sst s0  }
0x9: {  	[smem:$0x3FA3] =	sst s1  }
0xa: {  	[smem:$0x3FA4] =	sst s2  }
0xb: {  	[smem:$0x3FA5] =	sst s3  }
0xc: {  	[smem:$0x3FA6] =	sst s4  }
0xd: {  	[smem:$0x3FA7] =	sst s5  }
0xe: {  	[smem:$0x3FA8] =	sst s6  }
0xf: {  	[smem:$0x3FA9] =	sst s7  }
0x10: {  	[smem:$0x3FAA] =	sst s8  }
0x11: {  	[smem:$0x3FAB] =	sst s9;
	s0 =	simm.s32 @!p0 $0x0  }
0x12: {  	s1 =	sld [smem:$0x3F91];
	s0 =	simm.s32 @p0 $0x1  }
0x13: {  	[smem:$0x3FAC] =	sst s0;
	s0 =	simm.s32 @!p1 $0x0  }
0x14: {  	s2 =	sld [smem:$0x3F90];
	s0 =	simm.s32 @p1 $0x1  }
0x15: {  	[smem:$0x3FAD] =	sst s0;
	s0 =	simm.s32 @!p2 $0x0  }
0x16: {  	s3 =	sld [smem:$0x3FDB];
	s0 =	simm.s32 @p2 $0x1  }
0x17: {  	s4 =	simm.s32 $0x1BF5;
	[smem:$0x3FAF] =	sst s0  }
0x18: {  	s0 =	sld [smem:$0x3F92];
	_ =	swait.ge [sflag:s4], $0x0  }
0x19: {  	s7 =	sld [smem:$0x3F93]  }
0x1a: {  	s8 =	sadd.s32 $0xFFFFE003, lr  }
0x1b: {  	s9 =	sadd.s32 $0xFFFFFEF7, lr;
	s5 =	simm.s32 $0xFFFFFFFF;
	p2 =	slt.u32 s8, $0xFFFFF086  }
0x1c: {  	p1 =	slt.u32 s9, $0xF7A;
	s5 =	simm.s32 @!p2 $0x0  }
0x1d: {  	s5 =	simm.s32 @p1 $0x1;
	p0 =	seq.s32 s7, s2  }
0x1e: {  	s7 =	smul.u32 @!p0 $0xF7A, s2;
	p2 =	seq.s32 @!p0 s5, $0x0  }
0x1f: {  	s9 =	smul.u32 $0xF7A, s1;
	s8 =	simm.s32 @!p0 $0x1BF5;
	p2 =	por !p2, p0  }
0x20: {  	[sflag:s8] =	ssyncset.s32 @!p0 $0xFFFFF086;
	s6 =	sadd.s32 @!p0 s3, s7;
	s7 =	simm.s32 @!p0 $0x108  }
0x21: {  	s3 =	sadd.s32 s3, s9;
	s6 =	sadd.s32 @!p0 $0x88, s6;
	s7 =	simm.s32 @p2 $0x1082  }
0x22: {  	[simem:s7], [sflag:s8] =	dma.local @!p0 [hbm:s6], $0xF7A  }
0x23: {  	s9 =	sor.u32 $0xD0000000, s2;
	s6 =	simm.s32 $0x108;
	_ =	swait.ge @!p0 [sflag:s8], $0x0  }
0x24: {  	s3 =	sadd.s32 $0x88, s3;
	s6 =	simm.s32 @!p1 $0x1082;
	[sflag:s4] =	ssyncset.s32 $0xFFFFF086  }
0x25: {  	[simem:s6], [sflag:s4] =	dma.local [hbm:s3], $0xF7A  }
0x26: {  	[smem:$0x3F93] =	sst s1;
	(tag) =	ssettag s2;
	_ =	strace s9  }
0x27: {  	s1 =	sld [smem:$0x3FA3]  }
0x28: {  	s2 =	sld [smem:$0x3FA4]  }
0x29: {  	s4 =	sld [smem:$0x3FA6]  }
0x2a: {  	p0 =	seq.s32 s5, $0x0;
	s5 =	sld [smem:$0x3FA7]  }
0x2b: {  	s6 =	sld [smem:$0x3FA8]  }
0x2c: {  	s7 =	sld [smem:$0x3FA9]  }
0x2d: {  	s3 =	simm.s32 $0x108;
	s8 =	sld [smem:$0x3FAA]  }
0x2e: {  	s3 =	simm.s32 @!p0 $0x1082;
	s9 =	sld [smem:$0x3FAB]  }
0x2f: {  	lr =	sadd.s32 s0, s3;
	s0 =	sld [smem:$0x3FA2]  }
0x30: {  	s3 =	sld [smem:$0x3FA5]  }
0x31: {  	[smem:$0x3FAE] =	sst s10  }
0x32: {  	s10 =	sld [smem:$0x3FAC];
	_ =	sdelay $0x3  }
0x33: {  	p0 =	seq.s32 s10, $0x1;
	s10 =	sld [smem:$0x3FAE];
	_ =	sdelay $0x3  }
0x34: {  	[smem:$0x3FAE] =	sst s10  }
0x35: {  	s10 =	sld [smem:$0x3FAD];
	_ =	sdelay $0x3  }
0x36: {  	p1 =	seq.s32 s10, $0x1;
	s10 =	sld [smem:$0x3FAE];
	_ =	sdelay $0x3  }
0x37: {  	[smem:$0x3FAE] =	sst s10  }
0x38: {  	s10 =	sld [smem:$0x3FAF]  }
0x39: {  	_ = 	snop;
	(pc) =	sbr.ind lr, $3  }
0x3a: {  	_ = 	snop  }
0x3b: {  	_ = 	snop  }
0x3c: {  	p2 =	seq.s32 s10, $0x1;
	s10 =	sld [smem:$0x3FAE]  }
0x3d: {  	_ =	shalt  }
0x3e: {  	_ =	shalt  }
0x3f: {  	_ =	shalt  }
0x40: {  	_ =	shalt  }
0x41: {  	_ =	shalt  }
0x42: {  	_ =	shalt  }
0x43: {  	_ =	shalt  }
0x44: {  	_ =	shalt  }
0x45: {  	_ =	shalt  }
0x46: {  	_ =	shalt  }
0x47: {  	_ =	shalt  }
0x48: {  	_ =	shalt  }
0x49: {  	_ =	shalt  }
0x4a: {  	_ =	shalt  }
0x4b: {  	_ =	shalt  }
0x4c: {  	_ =	shalt  }
0x4d: {  	_ =	shalt  }
0x4e: {  	_ =	shalt  }
0x4f: {  	_ =	shalt  }
0x50: {  	_ =	shalt  }
0x51: {  	_ =	shalt  }
0x52: {  	_ =	shalt  }
0x53: {  	_ =	shalt  }
0x54: {  	_ =	shalt  }
0x55: {  	_ =	shalt  }
0x56: {  	_ =	shalt  }
0x57: {  	_ =	shalt  }
0x58: {  	_ =	shalt  }
0x59: {  	_ =	shalt  }
0x5a: {  	_ =	shalt  }
0x5b: {  	_ =	shalt  }
0x5c: {  	_ =	shalt  }
0x5d: {  	_ =	shalt  }
0x5e: {  	_ =	shalt  }
0x5f: {  	_ =	shalt  }
0x60: {  	_ =	shalt  }
0x61: {  	_ =	shalt  }
0x62: {  	_ =	shalt  }
0x63: {  	_ =	shalt  }
0x64: {  	_ =	shalt  }
0x65: {  	_ =	shalt  }
0x66: {  	_ =	shalt  }
0x67: {  	_ =	shalt  }
0x68: {  	_ =	shalt  }
0x69: {  	_ =	shalt  }
0x6a: {  	_ =	shalt  }
0x6b: {  	_ =	shalt  }
0x6c: {  	_ =	shalt  }
0x6d: {  	_ =	shalt  }
0x6e: {  	_ =	shalt  }
0x6f: {  	_ =	shalt  }
0x70: {  	_ =	shalt  }
0x71: {  	_ =	shalt  }
0x72: {  	_ =	shalt  }
0x73: {  	_ =	shalt  }
0x74: {  	_ =	shalt  }
0x75: {  	_ =	shalt  }
0x76: {  	_ =	shalt  }
0x77: {  	_ =	shalt  }
0x78: {  	_ =	shalt  }
0x79: {  	_ =	shalt  }
0x7a: {  	_ =	shalt  }
0x7b: {  	_ =	shalt  }
0x7c: {  	_ =	shalt  }
0x7d: {  	_ =	shalt  }
0x7e: {  	_ =	shalt  }
0x7f: {  	_ =	shalt  }
0x80: {  	_ =	shalt  }
0x81: {  	_ =	shalt  }
0x82: {  	_ =	shalt  }
0x83: {  	_ =	shalt  }
0x84: {  	_ =	shalt  }
0x85: {  	_ =	shalt  }
0x86: {  	_ =	shalt  }
0x87: {  	_ =	shalt  }
.Lfunc_end0:
.L_simem_size_0:
called_computation_lowered:
.L_overlay_start_0:
0x88: {  	s2 =	sld [smem:$0x3FD9]  }
0x89: {  	s3 =	sld [smem:$0x3FFE];
	_ =	sdelay $0x1  }
0x8a: {  	s1 =	srdreg.scid  }
0x8b: {  	s0 =	sand.u32 $0x1, s1  }
0x8c: {  	s14 =	sshll.u32 s0, $0xA;
	s2 =	sadd.s32 s3, s2  }
0x8d: {  	s2 =	sadd.s32 s2, s14  }
0x8e: {  	[smem:$0x3FBA] =	sst s2  }
0x8f: {  	_ = 	snop  }
0x90: {  	s2 =	sld [smem:$0x3FD0];
	_ =	sdelay $0x2  }
0x91: {  	s15 =	simm.s32 $0xA;
	s4 =	simm.s32 $0x10  }
0x92: {  	[smem:s4], [sflag:s15] =	dma.local [hbm:s2], $0x1  }
0x93: {  	_ =	swait.eq [sflag:s15], $0x1  }
0x94: {  	[sflag:s15] =	ssyncset.done $0x0  }
0x95: {  	[sflag:s15] =	ssyncadd.s32 $0xFFFFFFFF  }
0x96: {  	s16 =	sld [smem:$0x11];
	(tm) =	ssettm $0x1  }
0x97: {  	s17 =	sld [smem:$0x3FFB];
	_ =	sdelay $0x3  }
0x98: {  	_ =	strace s17  }
0x99: {  	s3 =	sld [smem:$0x3FFC];
	_ =	sdelay $0x3  }
0x9a: {  	_ =	strace s3  }
0x9b: {  	s3 =	sld [smem:$0x3FFD];
	_ =	sdelay $0x3  }
0x9c: {  	_ =	strace s3  }
0x9d: {  	_ =	strace $0x8FFFFFFF  }
0x9e: {  	s18 =	sld [smem:$0x3FDB];
	_ =	sdelay $0x1  }
0x9f: {  	s19 =	simm.s32 $_scs_section_size  }
0xa0: {  	s5 =	simm.s32 $_size__tile_overlayer_lowered;
	s6 =	simm.s32 $_tile_overlayer_lowered  }
0xa1: {  	s22 =	simm.s32 $0x1BFF;
	s21 =	sshll.u32 s6, $0x1;
	s3 =	sadd.s32 s19, s18  }
0xa2: {  	s7 =	simm.s32 $0x0;
	s20 =	sshll.u32 s5, $0x1;
	s5 =	sadd.s32 s21, s3  }
0xa3: {  	[timem:s7], [sflag:s22] =	dma.local [hbm:s5], s20  }
0xa4: {  	_ =	swait.ge [sflag:s22], s20  }
0xa5: {  	s4 =	ssub.s32 $0x0, s20;
	[sflag:s22] =	ssyncset.done $0x0  }
0xa6: {  	[sflag:s22] =	ssyncadd.s32 s4;
	_ =	sdelay $0x1  }
0xa7: {  	s23 =	simm.s32 $0x1B8B  }
0xa8: {  	_ =	swait.ge [sflag:s23], $0x1  }
0xa9: {  	[sflag:s23] =	ssyncset.done $0x0  }
0xaa: {  	s25 =	simm.s32 $0x1B8E;
	s24 =	sld [smem:$0x3FFE];
	[sflag:s23] =	ssyncadd.s32 $0xFFFFFFFF  }
0xab: {  	s26 =	simm.s32 $execute0_lowered;
	[smem:$0x3FD2] =	sst s25  }
0xac: {  	s5 =	sshll.u32 s26, $0x1;
	_ =	strace $0x80000046;
	[dreg:$0x1] =	wrdreg $0xFFFFFFFF  }
0xad: {  	s28 =	simm.s32 $_size_execute0_lowered;
	s3 =	sadd.s32 s3, s5;
	[dreg:$0x0] =	wrdreg $0x0  }
0xae: {  	s5 =	sshll.u32 s28, $0x1;
	[dreg:$0x2] =	wrdreg s3  }
0xaf: {  	[dreg:$0x3] =	wrdreg s5  }
0xb0: {  	[dreg:$0x4] =	wrdreg $0xC0  }
0xb1: {  	_ =	task [dreg:s7], $0x5FFFF  }
0xb2: {  	[dreg:$0x1] =	wrdreg $0xFFFFFFFF  }
0xb3: {  	[dreg:$0x0] =	wrdreg $0x60  }
0xb4: {  	[dreg:$0x2] =	wrdreg s16  }
0xb5: {  	[dreg:$0x3] =	wrdreg s24  }
0xb6: {  	[dreg:$0x4] =	wrdreg $0x9  }
0xb7: {  	_ =	task.clear_ibuf [dreg:s7], $0x5FFFF;
	_ =	strace $0x90000046  }
0xb8: {  	s29 =	simm.s32 $0x9;
	_ =	strace $0x80000048  }
0xb9: {  	_ =	swait.ge [sflag:s29], $0x1  }
0xba: {  	[sflag:s29] =	ssyncadd.s32 $0xFFFFFFFF  }
0xbb: {  	_ =	strace $0x90000048  }
0xbc: {  	_ =	sfence  }
0xbd: {  	s30 =	sld [smem:$0x0];
	_ =	sdelay $0x2  }
0xbe: {  	s31 =	sshll.u32 s1, $0xD;
	s1 =	sshrl.u32 s1, $0x2  }
0xbf: {  	s3 =	sand.u32 $0x4000, s31;
	s1 =	sadd.s32 s1, s30  }
0xc0: {  	s0 =	sor.u32 s3, s0;
	s1 =	sshll.u32 s1, $0x11  }
0xc1: {  	s0 =	sor.u32 s1, s0  }
0xc2: {  	s0 =	sadd.s32 $0x8F2B, s0  }
0xc3: {  	[sflag:s0] =	ssyncadd.remote.s32 $0x1  }
0xc4: {  	_ =	sfence.sel $0xFFFF  }
0xc5: {  	[dreg:$0x0] =	wrdreg $0xFFFFFFFF;
	(pc) =	sbr.abs _section_cstart, $3  }
0xc6: {  	[dreg:$0x1] =	wrdreg $0xFFFFFFFF  }
0xc7: {  	_ =	task.clear_ibuf [dreg:s7], $0x2FFFF;
	_ =	strace $0x9FFFFFFF  }
0xc8: {  	(tm) =	ssettm $0x7FFFFFFF  }
0xc9: {  	_ =	shalt  }
tec
execute0_lowered:
.L_overlay_start_1:
0x0: {  	(tag) =	ssettag $0x1  }
0x1: {  	s4 =	rddreg [dreg:$0x0]  }
0x2: {  	s3 =	rddreg [dreg:$0x1];
	s1 =	srdreg.scid  }
0x3: {  	s0 =	rddreg [dreg:$0x2];
	s2 =	simm.s32 $0x0;
	s11 =	simm.s32 $0x80  }
0x4: {  	s12 =	simm.s32 $0x3;
	s13 =	simm.s32 $0x900;
	s14 =	simm.s32 $0xA00  }
0x5: {  	s15 =	simm.s32 $0xB00;
	s16 =	simm.s32 $0xC00;
	s17 =	simm.s32 $0xD00  }
0x6: {  	s18 =	simm.s32 $0xE00;
	s19 =	simm.s32 $0xF00;
	s20 =	simm.s32 $0x0  }
0x7: {  	s5 =	sand.u32 $0x1, s1;
	[smem:$0x7FF] =	sst s2;
	s1 =	stileid.u32  }
0x8: {  	s6 =	ssub.s32 $0x2, s5;
	_ =	strace $0x80000047;
	s7 =	sshll.u32 s1, $0xC  }
0x9: {  	s10 =	sshll.u32 s1, $0xD;
	s29 =	sshll.u32 s5, $0xC;
	s30 =	sshll.u32 s5, $0xB  }
0xa: {  	s8 =	sshrl.u32 s6, $0x1;
	s9 =	sadd.s32 s7, s3;
	s28 =	sadd.s32 s10, s3  }
0xb: {  	s7 =	sadd.s32 s7, s4;
	s10 =	simm.s32 $0x800;
	s6 =	ssub.s32 s6, s8  }
0xc: {  	s5 =	sadd.s32 s30, s7;
	s31 =	sadd.s32 s30, s9;
	s7 =	simm.s32 $0x400  }
0xd: {  	s8 =	simm.s32 $0x1;
	s3 =	smax.u32 s6, $0x1;
	s6 =	sadd.s32 s29, s28  }
0xe: {  	v0 =	vimm.f32 $0.0e+00;
	v1 =	vimm.f32 $1.000000000e+00;
	s9 =	simm.s32 $0x2;
	s4 =	sadd.s32 $0x12200, s6;
	s6 =	sadd.s32 $0x2200, s31  }
.LBB2_1:
0xf: {  	s21 =	smov.u32 s6;
	s22 =	smov.u32 s5;
	s23 =	simm.s32 $0x0  }
.LBB2_2:
0x10: {  	[tilespmem:s2], [sflag:$0x1] =	stream.linear.gather [hbm4b:s22+s2], $0x400, $0x38;
	[tilespmem:$0x1000] =	vst v63  }
0x11: {  	_ = 	snop  }
0x12: {  	[tilespmem:s7], [sflag:$0x2] =	stream.linear.gather [hbm4b:s21+s2], $0x400, $0x38;
	[tilespmem:$0x1000] =	vst v63  }
0x13: {  	[tilespmem:$0x800] =	vst v0  }
0x14: {  	[tilespmem:$0x810] =	vst v0  }
0x15: {  	[tilespmem:$0x820] =	vst v0  }
0x16: {  	[tilespmem:$0x830] =	vst v0  }
0x17: {  	[tilespmem:$0x840] =	vst v0  }
0x18: {  	[tilespmem:$0x850] =	vst v0  }
0x19: {  	[tilespmem:$0x860] =	vst v0  }
0x1a: {  	[tilespmem:$0x870] =	vst v0  }
0x1b: {  	[tilespmem:$0x880] =	vst v0  }
0x1c: {  	[tilespmem:$0x890] =	vst v0  }
0x1d: {  	[tilespmem:$0x8A0] =	vst v0  }
0x1e: {  	[tilespmem:$0x8B0] =	vst v0  }
0x1f: {  	[tilespmem:$0x8C0] =	vst v0  }
0x20: {  	[tilespmem:$0x8D0] =	vst v0  }
0x21: {  	[tilespmem:$0x8E0] =	vst v0  }
0x22: {  	[tilespmem:$0x8F0] =	vst v0  }
0x23: {  	[tilespmem:$0x900] =	vst v0  }
0x24: {  	[tilespmem:$0x910] =	vst v0  }
0x25: {  	[tilespmem:$0x920] =	vst v0  }
0x26: {  	[tilespmem:$0x930] =	vst v0  }
0x27: {  	[tilespmem:$0x940] =	vst v0  }
0x28: {  	[tilespmem:$0x950] =	vst v0  }
0x29: {  	[tilespmem:$0x960] =	vst v0  }
0x2a: {  	[tilespmem:$0x970] =	vst v0  }
0x2b: {  	[tilespmem:$0x980] =	vst v0  }
0x2c: {  	[tilespmem:$0x990] =	vst v0  }
0x2d: {  	[tilespmem:$0x9A0] =	vst v0  }
0x2e: {  	[tilespmem:$0x9B0] =	vst v0  }
0x2f: {  	[tilespmem:$0x9C0] =	vst v0  }
0x30: {  	[tilespmem:$0x9D0] =	vst v0  }
0x31: {  	[tilespmem:$0x9E0] =	vst v0  }
0x32: {  	[tilespmem:$0x9F0] =	vst v0  }
0x33: {  	[tilespmem:$0xA00] =	vst v0  }
0x34: {  	[tilespmem:$0xA10] =	vst v0  }
0x35: {  	[tilespmem:$0xA20] =	vst v0  }
0x36: {  	[tilespmem:$0xA30] =	vst v0  }
0x37: {  	[tilespmem:$0xA40] =	vst v0  }
0x38: {  	[tilespmem:$0xA50] =	vst v0  }
0x39: {  	[tilespmem:$0xA60] =	vst v0  }
0x3a: {  	[tilespmem:$0xA70] =	vst v0  }
0x3b: {  	[tilespmem:$0xA80] =	vst v0  }
0x3c: {  	[tilespmem:$0xA90] =	vst v0  }
0x3d: {  	[tilespmem:$0xAA0] =	vst v0  }
0x3e: {  	[tilespmem:$0xAB0] =	vst v0  }
0x3f: {  	[tilespmem:$0xAC0] =	vst v0  }
0x40: {  	[tilespmem:$0xAD0] =	vst v0  }
0x41: {  	[tilespmem:$0xAE0] =	vst v0  }
0x42: {  	[tilespmem:$0xAF0] =	vst v0  }
0x43: {  	[tilespmem:$0xB00] =	vst v0  }
0x44: {  	[tilespmem:$0xB10] =	vst v0  }
0x45: {  	[tilespmem:$0xB20] =	vst v0  }
0x46: {  	[tilespmem:$0xB30] =	vst v0  }
0x47: {  	[tilespmem:$0xB40] =	vst v0  }
0x48: {  	[tilespmem:$0xB50] =	vst v0  }
0x49: {  	[tilespmem:$0xB60] =	vst v0  }
0x4a: {  	[tilespmem:$0xB70] =	vst v0  }
0x4b: {  	[tilespmem:$0xB80] =	vst v0  }
0x4c: {  	[tilespmem:$0xB90] =	vst v0  }
0x4d: {  	[tilespmem:$0xBA0] =	vst v0  }
0x4e: {  	[tilespmem:$0xBB0] =	vst v0  }
0x4f: {  	[tilespmem:$0xBC0] =	vst v0  }
0x50: {  	[tilespmem:$0xBD0] =	vst v0  }
0x51: {  	[tilespmem:$0xBE0] =	vst v0  }
0x52: {  	[tilespmem:$0xBF0] =	vst v0  }
0x53: {  	[tilespmem:$0xC00] =	vst v0  }
0x54: {  	[tilespmem:$0xC10] =	vst v0  }
0x55: {  	[tilespmem:$0xC20] =	vst v0  }
0x56: {  	[tilespmem:$0xC30] =	vst v0  }
0x57: {  	[tilespmem:$0xC40] =	vst v0  }
0x58: {  	[tilespmem:$0xC50] =	vst v0  }
0x59: {  	[tilespmem:$0xC60] =	vst v0  }
0x5a: {  	[tilespmem:$0xC70] =	vst v0  }
0x5b: {  	[tilespmem:$0xC80] =	vst v0  }
0x5c: {  	[tilespmem:$0xC90] =	vst v0  }
0x5d: {  	[tilespmem:$0xCA0] =	vst v0  }
0x5e: {  	[tilespmem:$0xCB0] =	vst v0  }
0x5f: {  	[tilespmem:$0xCC0] =	vst v0  }
0x60: {  	[tilespmem:$0xCD0] =	vst v0  }
0x61: {  	[tilespmem:$0xCE0] =	vst v0  }
0x62: {  	[tilespmem:$0xCF0] =	vst v0  }
0x63: {  	[tilespmem:$0xD00] =	vst v0  }
0x64: {  	[tilespmem:$0xD10] =	vst v0  }
0x65: {  	[tilespmem:$0xD20] =	vst v0  }
0x66: {  	[tilespmem:$0xD30] =	vst v0  }
0x67: {  	[tilespmem:$0xD40] =	vst v0  }
0x68: {  	[tilespmem:$0xD50] =	vst v0  }
0x69: {  	[tilespmem:$0xD60] =	vst v0  }
0x6a: {  	[tilespmem:$0xD70] =	vst v0  }
0x6b: {  	[tilespmem:$0xD80] =	vst v0  }
0x6c: {  	[tilespmem:$0xD90] =	vst v0  }
0x6d: {  	[tilespmem:$0xDA0] =	vst v0  }
0x6e: {  	[tilespmem:$0xDB0] =	vst v0  }
0x6f: {  	[tilespmem:$0xDC0] =	vst v0  }
0x70: {  	[tilespmem:$0xDD0] =	vst v0  }
0x71: {  	[tilespmem:$0xDE0] =	vst v0  }
0x72: {  	[tilespmem:$0xDF0] =	vst v0  }
0x73: {  	[tilespmem:$0xE00] =	vst v0  }
0x74: {  	[tilespmem:$0xE10] =	vst v0  }
0x75: {  	[tilespmem:$0xE20] =	vst v0  }
0x76: {  	[tilespmem:$0xE30] =	vst v0  }
0x77: {  	[tilespmem:$0xE40] =	vst v0  }
0x78: {  	[tilespmem:$0xE50] =	vst v0  }
0x79: {  	[tilespmem:$0xE60] =	vst v0  }
0x7a: {  	[tilespmem:$0xE70] =	vst v0  }
0x7b: {  	[tilespmem:$0xE80] =	vst v0  }
0x7c: {  	[tilespmem:$0xE90] =	vst v0  }
0x7d: {  	[tilespmem:$0xEA0] =	vst v0  }
0x7e: {  	[tilespmem:$0xEB0] =	vst v0  }
0x7f: {  	[tilespmem:$0xEC0] =	vst v0  }
0x80: {  	[tilespmem:$0xED0] =	vst v0  }
0x81: {  	[tilespmem:$0xEE0] =	vst v0  }
0x82: {  	[tilespmem:$0xEF0] =	vst v0  }
0x83: {  	[tilespmem:$0xF00] =	vst v0  }
0x84: {  	[tilespmem:$0xF10] =	vst v0  }
0x85: {  	[tilespmem:$0xF20] =	vst v0  }
0x86: {  	[tilespmem:$0xF30] =	vst v0  }
0x87: {  	[tilespmem:$0xF40] =	vst v0  }
0x88: {  	[tilespmem:$0xF50] =	vst v0  }
0x89: {  	[tilespmem:$0xF60] =	vst v0  }
0x8a: {  	[tilespmem:$0xF70] =	vst v0  }
0x8b: {  	[tilespmem:$0xF80] =	vst v0  }
0x8c: {  	[tilespmem:$0xF90] =	vst v0  }
0x8d: {  	[tilespmem:$0xFA0] =	vst v0  }
0x8e: {  	[tilespmem:$0xFB0] =	vst v0  }
0x8f: {  	[tilespmem:$0xFC0] =	vst v0  }
0x90: {  	[tilespmem:$0xFD0] =	vst v0  }
0x91: {  	[tilespmem:$0xFE0] =	vst v0  }
0x92: {  	[tilespmem:$0xFF0] =	vst v0  }
0x93: {  	_ =	swait.ge [sflag:s8], $0x400  }
0x94: {  	[sflag:s8] =	ssyncset.done $0x0  }
0x95: {  	[sflag:s8] =	ssyncadd.s32 $0xFFFFFC00  }
0x96: {  	_ =	swait.ge [sflag:s9], $0x400  }
0x97: {  	[sflag:s9] =	ssyncset.done $0x0  }
0x98: {  	[sflag:s9] =	ssyncadd.s32 $0xFFFFFC00  }
0x99: {  	v2 =	vld [tilespmem:$0x0]  }
0x9a: {  	v3 =	vld [tilespmem:$0x400];
	_ =	sdelay $0x4  }
0x9b: {  	v4 =	vshll.u32 v2, $0x4;
	vm0 =	vne.s32 v2, v3  }
0x9c: {  	v2 =	vadd.s32 v3, v4;
	_ =	sdelay $0x4  }
0x9d: {  	[tilespmem:v2+s10+$0x0] =	vst.idx.add.f32.msk vm0, v1  }
0x9e: {  	v2 =	vld [tilespmem:$0x10]  }
0x9f: {  	v3 =	vld [tilespmem:$0x410];
	_ =	sdelay $0x4  }
0xa0: {  	v33 =	vshll.u32 v2, $0x4;
	vm9 =	vne.s32 v2, v3  }
0xa1: {  	v2 =	vadd.s32 v3, v33;
	_ =	sdelay $0x4  }
0xa2: {  	[tilespmem:v2+s10+$0x0] =	vst.idx.add.f32.msk vm9, v1  }
0xa3: {  	v2 =	vld [tilespmem:$0x20]  }
0xa4: {  	v3 =	vld [tilespmem:$0x420];
	_ =	sdelay $0x4  }
0xa5: {  	v34 =	vshll.u32 v2, $0x4;
	vm10 =	vne.s32 v2, v3  }
0xa6: {  	v2 =	vadd.s32 v3, v34;
	_ =	sdelay $0x4  }
0xa7: {  	[tilespmem:v2+s10+$0x0] =	vst.idx.add.f32.msk vm10, v1  }
0xa8: {  	v2 =	vld [tilespmem:$0x30]  }
0xa9: {  	v3 =	vld [tilespmem:$0x430];
	_ =	sdelay $0x4  }
0xaa: {  	v35 =	vshll.u32 v2, $0x4;
	vm11 =	vne.s32 v2, v3  }
0xab: {  	v2 =	vadd.s32 v3, v35;
	_ =	sdelay $0x4  }
0xac: {  	[tilespmem:v2+s10+$0x0] =	vst.idx.add.f32.msk vm11, v1  }
0xad: {  	v2 =	vld [tilespmem:$0x80]  }
0xae: {  	v3 =	vld [tilespmem:$0x480];
	_ =	sdelay $0x3  }
0xaf: {  	v36 =	vshll.u32 v2, $0x4  }
0xb0: {  	vm12 =	vne.s32 v2, v3;
	v4 =	vadd.s32 v3, v36  }
0xb1: {  	v2 =	vadd.s32 $0x100, v4;
	_ =	sdelay $0x4  }
0xb2: {  	[tilespmem:v2+s10+$0x0] =	vst.idx.add.f32.msk vm12, v1  }
0xb3: {  	v2 =	vld [tilespmem:$0x90]  }
0xb4: {  	v3 =	vld [tilespmem:$0x490];
	_ =	sdelay $0x3  }
0xb5: {  	v37 =	vshll.u32 v2, $0x4  }
0xb6: {  	vm13 =	vne.s32 v2, v3;
	v4 =	vadd.s32 v3, v37  }
0xb7: {  	v2 =	vadd.s32 $0x100, v4;
	_ =	sdelay $0x4  }
0xb8: {  	[tilespmem:v2+s10+$0x0] =	vst.idx.add.f32.msk vm13, v1  }
0xb9: {  	v2 =	vld [tilespmem:$0xA0]  }
0xba: {  	v3 =	vld [tilespmem:$0x4A0];
	_ =	sdelay $0x3  }
0xbb: {  	v38 =	vshll.u32 v2, $0x4  }
0xbc: {  	vm14 =	vne.s32 v2, v3;
	v4 =	vadd.s32 v3, v38  }
0xbd: {  	v2 =	vadd.s32 $0x100, v4;
	_ =	sdelay $0x4  }
0xbe: {  	[tilespmem:v2+s10+$0x0] =	vst.idx.add.f32.msk vm14, v1  }
0xbf: {  	v2 =	vld [tilespmem:$0xB0]  }
0xc0: {  	v3 =	vld [tilespmem:$0x4B0];
	_ =	sdelay $0x3  }
0xc1: {  	v39 =	vshll.u32 v2, $0x4  }
0xc2: {  	vm15 =	vne.s32 v2, v3;
	v4 =	vadd.s32 v3, v39  }
0xc3: {  	v2 =	vadd.s32 $0x100, v4;
	_ =	sdelay $0x4  }
0xc4: {  	[tilespmem:v2+s10+$0x0] =	vst.idx.add.f32.msk vm15, v1  }
0xc5: {  	v2 =	vld [tilespmem:$0x100]  }
0xc6: {  	v3 =	vld [tilespmem:$0x500];
	_ =	sdelay $0x3  }
0xc7: {  	v40 =	vshll.u32 v2, $0x4  }
0xc8: {  	vm4 =	vne.s32 v2, v3;
	v4 =	vadd.s32 v3, v40  }
0xc9: {  	v2 =	vadd.s32 $0x200, v4;
	_ =	sdelay $0x4  }
0xca: {  	[tilespmem:v2+s10+$0x0] =	vst.idx.add.f32.msk vm4, v1  }
0xcb: {  	v2 =	vld [tilespmem:$0x110]  }
0xcc: {  	v3 =	vld [tilespmem:$0x510];
	_ =	sdelay $0x3  }
0xcd: {  	v41 =	vshll.u32 v2, $0x4  }
0xce: {  	vm5 =	vne.s32 v2, v3;
	v4 =	vadd.s32 v3, v41  }
0xcf: {  	v2 =	vadd.s32 $0x200, v4;
	_ =	sdelay $0x4  }
0xd0: {  	[tilespmem:v2+s10+$0x0] =	vst.idx.add.f32.msk vm5, v1  }
0xd1: {  	v2 =	vld [tilespmem:$0x120]  }
0xd2: {  	v3 =	vld [tilespmem:$0x520];
	_ =	sdelay $0x3  }
0xd3: {  	v42 =	vshll.u32 v2, $0x4  }
0xd4: {  	vm6 =	vne.s32 v2, v3;
	v4 =	vadd.s32 v3, v42  }
0xd5: {  	v2 =	vadd.s32 $0x200, v4;
	_ =	sdelay $0x4  }
0xd6: {  	[tilespmem:v2+s10+$0x0] =	vst.idx.add.f32.msk vm6, v1  }
0xd7: {  	v2 =	vld [tilespmem:$0x130]  }
0xd8: {  	v3 =	vld [tilespmem:$0x530];
	_ =	sdelay $0x3  }
0xd9: {  	v43 =	vshll.u32 v2, $0x4  }
0xda: {  	vm7 =	vne.s32 v2, v3;
	v4 =	vadd.s32 v3, v43  }
0xdb: {  	v2 =	vadd.s32 $0x200, v4;
	_ =	sdelay $0x4  }
0xdc: {  	[tilespmem:v2+s10+$0x0] =	vst.idx.add.f32.msk vm7, v1  }
0xdd: {  	v2 =	vld [tilespmem:$0x180]  }
0xde: {  	v3 =	vld [tilespmem:$0x580];
	_ =	sdelay $0x3  }
0xdf: {  	v44 =	vshll.u32 v2, $0x4  }
0xe0: {  	vm8 =	vne.s32 v2, v3;
	v4 =	vadd.s32 v3, v44  }
0xe1: {  	v2 =	vadd.s32 $0x300, v4;
	_ =	sdelay $0x4  }
0xe2: {  	[tilespmem:v2+s10+$0x0] =	vst.idx.add.f32.msk vm8, v1  }
0xe3: {  	v2 =	vld [tilespmem:$0x190]  }
0xe4: {  	v3 =	vld [tilespmem:$0x590];
	_ =	sdelay $0x3  }
0xe5: {  	v45 =	vshll.u32 v2, $0x4  }
0xe6: {  	vm9 =	vne.s32 v2, v3;
	v4 =	vadd.s32 v3, v45  }
0xe7: {  	v2 =	vadd.s32 $0x300, v4;
	_ =	sdelay $0x4  }
0xe8: {  	[tilespmem:v2+s10+$0x0] =	vst.idx.add.f32.msk vm9, v1  }
0xe9: {  	v2 =	vld [tilespmem:$0x1A0]  }
0xea: {  	v3 =	vld [tilespmem:$0x5A0];
	_ =	sdelay $0x3  }
0xeb: {  	v46 =	vshll.u32 v2, $0x4  }
0xec: {  	vm10 =	vne.s32 v2, v3;
	v4 =	vadd.s32 v3, v46  }
0xed: {  	v2 =	vadd.s32 $0x300, v4;
	_ =	sdelay $0x4  }
0xee: {  	[tilespmem:v2+s10+$0x0] =	vst.idx.add.f32.msk vm10, v1  }
0xef: {  	v2 =	vld [tilespmem:$0x1B0]  }
0xf0: {  	v3 =	vld [tilespmem:$0x5B0];
	_ =	sdelay $0x3  }
0xf1: {  	v47 =	vshll.u32 v2, $0x4  }
0xf2: {  	vm11 =	vne.s32 v2, v3;
	v4 =	vadd.s32 v3, v47  }
0xf3: {  	v2 =	vadd.s32 $0x300, v4;
	_ =	sdelay $0x4  }
0xf4: {  	[tilespmem:v2+s10+$0x0] =	vst.idx.add.f32.msk vm11, v1  }
0xf5: {  	v2 =	vld [tilespmem:$0x200]  }
0xf6: {  	v3 =	vld [tilespmem:$0x600];
	_ =	sdelay $0x3  }
0xf7: {  	v48 =	vshll.u32 v2, $0x4  }
0xf8: {  	vm12 =	vne.s32 v2, v3;
	v4 =	vadd.s32 v3, v48  }
0xf9: {  	v2 =	vadd.s32 $0x400, v4;
	_ =	sdelay $0x4  }
0xfa: {  	[tilespmem:v2+s10+$0x0] =	vst.idx.add.f32.msk vm12, v1  }
0xfb: {  	v2 =	vld [tilespmem:$0x210]  }
0xfc: {  	v3 =	vld [tilespmem:$0x610];
	_ =	sdelay $0x3  }
0xfd: {  	v49 =	vshll.u32 v2, $0x4  }
0xfe: {  	vm13 =	vne.s32 v2, v3;
	v4 =	vadd.s32 v3, v49  }
0xff: {  	v2 =	vadd.s32 $0x400, v4;
	_ =	sdelay $0x4  }
0x100: {  	[tilespmem:v2+s10+$0x0] =	vst.idx.add.f32.msk vm13, v1  }
0x101: {  	v2 =	vld [tilespmem:$0x220]  }
0x102: {  	v3 =	vld [tilespmem:$0x620];
	_ =	sdelay $0x3  }
0x103: {  	v50 =	vshll.u32 v2, $0x4  }
0x104: {  	vm14 =	vne.s32 v2, v3;
	v4 =	vadd.s32 v3, v50  }
0x105: {  	v2 =	vadd.s32 $0x400, v4;
	_ =	sdelay $0x4  }
0x106: {  	[tilespmem:v2+s10+$0x0] =	vst.idx.add.f32.msk vm14, v1  }
0x107: {  	v2 =	vld [tilespmem:$0x230]  }
0x108: {  	v3 =	vld [tilespmem:$0x630];
	_ =	sdelay $0x3  }
0x109: {  	v51 =	vshll.u32 v2, $0x4  }
0x10a: {  	vm15 =	vne.s32 v2, v3;
	v4 =	vadd.s32 v3, v51  }
0x10b: {  	v2 =	vadd.s32 $0x400, v4;
	_ =	sdelay $0x4  }
0x10c: {  	[tilespmem:v2+s10+$0x0] =	vst.idx.add.f32.msk vm15, v1  }
0x10d: {  	v2 =	vld [tilespmem:$0x280]  }
0x10e: {  	v3 =	vld [tilespmem:$0x680];
	_ =	sdelay $0x3  }
0x10f: {  	v52 =	vshll.u32 v2, $0x4  }
0x110: {  	vm4 =	vne.s32 v2, v3;
	v4 =	vadd.s32 v3, v52  }
0x111: {  	v2 =	vadd.s32 $0x500, v4;
	_ =	sdelay $0x4  }
0x112: {  	[tilespmem:v2+s10+$0x0] =	vst.idx.add.f32.msk vm4, v1  }
0x113: {  	v2 =	vld [tilespmem:$0x290]  }
0x114: {  	v3 =	vld [tilespmem:$0x690];
	_ =	sdelay $0x3  }
0x115: {  	v53 =	vshll.u32 v2, $0x4  }
0x116: {  	vm5 =	vne.s32 v2, v3;
	v4 =	vadd.s32 v3, v53  }
0x117: {  	v2 =	vadd.s32 $0x500, v4;
	_ =	sdelay $0x4  }
0x118: {  	[tilespmem:v2+s10+$0x0] =	vst.idx.add.f32.msk vm5, v1  }
0x119: {  	v2 =	vld [tilespmem:$0x2A0]  }
0x11a: {  	v3 =	vld [tilespmem:$0x6A0];
	_ =	sdelay $0x3  }
0x11b: {  	v54 =	vshll.u32 v2, $0x4  }
0x11c: {  	vm6 =	vne.s32 v2, v3;
	v4 =	vadd.s32 v3, v54  }
0x11d: {  	v2 =	vadd.s32 $0x500, v4;
	_ =	sdelay $0x4  }
0x11e: {  	[tilespmem:v2+s10+$0x0] =	vst.idx.add.f32.msk vm6, v1  }
0x11f: {  	v2 =	vld [tilespmem:$0x2B0]  }
0x120: {  	v3 =	vld [tilespmem:$0x6B0];
	_ =	sdelay $0x3  }
0x121: {  	v55 =	vshll.u32 v2, $0x4  }
0x122: {  	vm7 =	vne.s32 v2, v3;
	v4 =	vadd.s32 v3, v55  }
0x123: {  	v2 =	vadd.s32 $0x500, v4;
	_ =	sdelay $0x4  }
0x124: {  	[tilespmem:v2+s10+$0x0] =	vst.idx.add.f32.msk vm7, v1  }
0x125: {  	v2 =	vld [tilespmem:$0x300]  }
0x126: {  	v3 =	vld [tilespmem:$0x700];
	_ =	sdelay $0x3  }
0x127: {  	v56 =	vshll.u32 v2, $0x4  }
0x128: {  	vm8 =	vne.s32 v2, v3;
	v4 =	vadd.s32 v3, v56  }
0x129: {  	v2 =	vadd.s32 $0x600, v4;
	_ =	sdelay $0x4  }
0x12a: {  	[tilespmem:v2+s10+$0x0] =	vst.idx.add.f32.msk vm8, v1  }
0x12b: {  	v2 =	vld [tilespmem:$0x310]  }
0x12c: {  	v3 =	vld [tilespmem:$0x710];
	_ =	sdelay $0x3  }
0x12d: {  	v57 =	vshll.u32 v2, $0x4  }
0x12e: {  	vm9 =	vne.s32 v2, v3;
	v4 =	vadd.s32 v3, v57  }
0x12f: {  	v2 =	vadd.s32 $0x600, v4;
	_ =	sdelay $0x4  }
0x130: {  	[tilespmem:v2+s10+$0x0] =	vst.idx.add.f32.msk vm9, v1  }
0x131: {  	v2 =	vld [tilespmem:$0x320]  }
0x132: {  	v3 =	vld [tilespmem:$0x720];
	_ =	sdelay $0x3  }
0x133: {  	v58 =	vshll.u32 v2, $0x4  }
0x134: {  	vm10 =	vne.s32 v2, v3;
	v4 =	vadd.s32 v3, v58  }
0x135: {  	v2 =	vadd.s32 $0x600, v4;
	_ =	sdelay $0x4  }
0x136: {  	[tilespmem:v2+s10+$0x0] =	vst.idx.add.f32.msk vm10, v1  }
0x137: {  	v2 =	vld [tilespmem:$0x330]  }
0x138: {  	v3 =	vld [tilespmem:$0x730];
	_ =	sdelay $0x3  }
0x139: {  	v59 =	vshll.u32 v2, $0x4  }
0x13a: {  	vm11 =	vne.s32 v2, v3;
	v4 =	vadd.s32 v3, v59  }
0x13b: {  	v2 =	vadd.s32 $0x600, v4;
	_ =	sdelay $0x4  }
0x13c: {  	[tilespmem:v2+s10+$0x0] =	vst.idx.add.f32.msk vm11, v1  }
0x13d: {  	v2 =	vld [tilespmem:$0x380]  }
0x13e: {  	v3 =	vld [tilespmem:$0x780];
	_ =	sdelay $0x3  }
0x13f: {  	v60 =	vshll.u32 v2, $0x4  }
0x140: {  	vm12 =	vne.s32 v2, v3;
	v4 =	vadd.s32 v3, v60  }
0x141: {  	v2 =	vadd.s32 $0x700, v4;
	_ =	sdelay $0x4  }
0x142: {  	[tilespmem:v2+s10+$0x0] =	vst.idx.add.f32.msk vm12, v1  }
0x143: {  	v2 =	vld [tilespmem:$0x390]  }
0x144: {  	v3 =	vld [tilespmem:$0x790];
	_ =	sdelay $0x3  }
0x145: {  	v61 =	vshll.u32 v2, $0x4  }
0x146: {  	vm13 =	vne.s32 v2, v3;
	v4 =	vadd.s32 v3, v61  }
0x147: {  	v2 =	vadd.s32 $0x700, v4;
	_ =	sdelay $0x4  }
0x148: {  	[tilespmem:v2+s10+$0x0] =	vst.idx.add.f32.msk vm13, v1  }
0x149: {  	v2 =	vld [tilespmem:$0x3A0]  }
0x14a: {  	v3 =	vld [tilespmem:$0x7A0];
	_ =	sdelay $0x3  }
0x14b: {  	v62 =	vshll.u32 v2, $0x4  }
0x14c: {  	vm14 =	vne.s32 v2, v3;
	v4 =	vadd.s32 v3, v62  }
0x14d: {  	v2 =	vadd.s32 $0x700, v4;
	_ =	sdelay $0x4  }
0x14e: {  	[tilespmem:v2+s10+$0x0] =	vst.idx.add.f32.msk vm14, v1  }
0x14f: {  	v2 =	vld [tilespmem:$0x3B0]  }
0x150: {  	v3 =	vld [tilespmem:$0x7B0];
	_ =	sdelay $0x3  }
0x151: {  	v63 =	vshll.u32 v2, $0x4  }
0x152: {  	vm15 =	vne.s32 v2, v3;
	v4 =	vadd.s32 v3, v63  }
0x153: {  	v2 =	vadd.s32 $0x700, v4;
	_ =	sdelay $0x4  }
0x154: {  	s24 =	sadd.s32 s23, s4;
	[tilespmem:v2+s10+$0x0] =	vst.idx.add.f32.msk vm15, v1  }
0x155: {  	[hbm4b:s24+s11] =	stream.strided.scatter [tilespmem:s10], [sflag:$0x3], $0x100, s7, s11, $0x38;
	[tilespmem:$0x1000] =	vst v63  }
0x156: {  	_ =	swait.ge [sflag:s12], $0x100  }
0x157: {  	[sflag:s12] =	ssyncset.done $0x0  }
0x158: {  	s25 =	sadd.s32 $0x10, s24;
	[sflag:s12] =	ssyncadd.s32 $0xFFFFFF00  }
0x159: {  	[hbm4b:s25+s11] =	stream.strided.scatter [tilespmem:s13], [sflag:$0x3], $0x100, s7, s11, $0x38;
	[tilespmem:$0x1000] =	vst v63  }
0x15a: {  	_ =	swait.ge [sflag:s12], $0x100  }
0x15b: {  	[sflag:s12] =	ssyncset.done $0x0  }
0x15c: {  	s26 =	sadd.s32 $0x20, s24;
	[sflag:s12] =	ssyncadd.s32 $0xFFFFFF00  }
0x15d: {  	[hbm4b:s26+s11] =	stream.strided.scatter [tilespmem:s14], [sflag:$0x3], $0x100, s7, s11, $0x38;
	[tilespmem:$0x1000] =	vst v63  }
0x15e: {  	_ =	swait.ge [sflag:s12], $0x100  }
0x15f: {  	[sflag:s12] =	ssyncset.done $0x0  }
0x160: {  	s28 =	sadd.s32 $0x30, s24;
	[sflag:s12] =	ssyncadd.s32 $0xFFFFFF00  }
0x161: {  	[hbm4b:s28+s11] =	stream.strided.scatter [tilespmem:s15], [sflag:$0x3], $0x100, s7, s11, $0x38;
	[tilespmem:$0x1000] =	vst v63  }
0x162: {  	_ =	swait.ge [sflag:s12], $0x100  }
0x163: {  	[sflag:s12] =	ssyncset.done $0x0  }
0x164: {  	s29 =	sadd.s32 $0x40, s24;
	[sflag:s12] =	ssyncadd.s32 $0xFFFFFF00  }
0x165: {  	[hbm4b:s29+s11] =	stream.strided.scatter [tilespmem:s16], [sflag:$0x3], $0x100, s7, s11, $0x38;
	[tilespmem:$0x1000] =	vst v63  }
0x166: {  	_ =	swait.ge [sflag:s12], $0x100  }
0x167: {  	[sflag:s12] =	ssyncset.done $0x0  }
0x168: {  	s30 =	sadd.s32 $0x50, s24;
	[sflag:s12] =	ssyncadd.s32 $0xFFFFFF00  }
0x169: {  	[hbm4b:s30+s11] =	stream.strided.scatter [tilespmem:s17], [sflag:$0x3], $0x100, s7, s11, $0x38;
	[tilespmem:$0x1000] =	vst v63  }
0x16a: {  	_ =	swait.ge [sflag:s12], $0x100  }
0x16b: {  	[sflag:s12] =	ssyncset.done $0x0  }
0x16c: {  	s31 =	sadd.s32 $0x60, s24;
	[sflag:s12] =	ssyncadd.s32 $0xFFFFFF00  }
0x16d: {  	[hbm4b:s31+s11] =	stream.strided.scatter [tilespmem:s18], [sflag:$0x3], $0x100, s7, s11, $0x38;
	[tilespmem:$0x1000] =	vst v63  }
0x16e: {  	_ =	swait.ge [sflag:s12], $0x100  }
0x16f: {  	p0 =	sne.s32 s23, $0xF00;
	[sflag:s12] =	ssyncset.done $0x0  }
.Ltmp0:
0x170: {  	s24 =	sadd.s32 $0x70, s24;
	[sflag:s12] =	ssyncadd.s32 $0xFFFFFF00;
	(pc) =	sbr.rel @p0 .LBB2_2-.Ltmp0, $4  }
0x171: {  	[hbm4b:s24+s11] =	stream.strided.scatter [tilespmem:s19], [sflag:$0x3], $0x100, s7, s11, $0x38;
	[tilespmem:$0x1000] =	vst v63  }
0x172: {  	_ =	swait.ge [sflag:s12], $0x100  }
0x173: {  	s22 =	sadd.s32 $0x80, s22;
	[sflag:s12] =	ssyncset.done $0x0  }
0x174: {  	s23 =	sadd.s32 $0x100, s23;
	s21 =	sadd.s32 $0x80, s21;
	[sflag:s12] =	ssyncadd.s32 $0xFFFFFF00  }
0x175: {  	s20 =	sadd.s32 $0x1, s20  }
0x176: {  	p0 =	sne.s32 s20, s3  }
.Ltmp1:
0x177: {  	_ = 	snop;
	(pc) =	sbr.rel @p0 .LBB2_1-.Ltmp1, $1  }
0x178: {  	_ =	sdelay $0x3  }
0x179: {  	_ =	sfence.sel $0x180000  }
0x17a: {  	[bflag:$0x0] =	sbarrier.arrive $0xFFFF  }
0x17b: {  	p0 =	sne.s32 s1, $0x0;
	_ =	strace $0x90000047  }
0x17c: {  	s0 =	sadd.s32 @!p0 $0x100000, s0;
	[bflag:$0x2] =	sbarrier.arrive $0xFFFF  }
0x17d: {  	[sflag:s0] =	ssyncadd.tile.s32 @!p0 $0x1;
	_ =	shalt  }
.Lfunc_end2:
_tile_overlayer_lowered:
.L_overlay_start_2:
0x17e: {  	(tag) =	ssettag $0x2  }
0x17f: {  	s0 =	rddreg [dreg:$0x0];
	s2 =	stileid.u32  }
0x180: {  	s1 =	rddreg [dreg:$0x1];
	p0 =	sne.s32 s2, $0x0  }
0x181: {  	s3 =	rddreg [dreg:$0x2];
	[bflag:$0x3] =	sbarrier.arrive $0xFFFF;
	s2 =	simm.s32 @!p0 $0x1C04  }
0x182: {  	[timem:s3], [sflag:s2] =	dma.local @!p0 [hbm:s0], s1  }
0x183: {  	s0 =	simm.s32 @!p0 $0x4  }
0x184: {  	_ =	swait.ge @!p0 [sflag:s0], s1  }
0x185: {  	s1 =	ssub.s32 @!p0 $0x0, s1;
	[sflag:s0] =	ssyncset.done @!p0 $0x0  }
0x186: {  	[sflag:s0] =	ssyncadd.s32 @!p0 s1  }
0x187: {  	[bflag:$0x3] =	sbarrier.arrive $0xFFFF  }
0x188: {  	_ =	shalt  }

</sc_bundles>
